<compile_context>
chip_gen: v7x
topology: tpu7x:2x2x1
jax: 0.10.2.dev20260603
libtpu: 0.0.44.dev20260713+nightly
codegen_flags: <defaults>
</compile_context>

<pallas_src>
import functools

import jax
import jax.numpy as jnp
from jax.experimental import pallas as pl
from jax.experimental.pallas import tpu as pltpu

C_IN = 96
H = 384
W = 384
N = H * W
TH_A = 8
TH_C = 16
TH_S = 24
_BIG = 1e30


def _dwconv_flat(y_ext, dw_ref, nchan, th):
    l_out = th * W
    l_ext = (th + 2) * W
    y_ext = y_ext.astype(jnp.bfloat16).astype(jnp.float32)
    dw = dw_ref[...]
    zcol = jnp.zeros((nchan, 1), jnp.float32)
    wpos = jax.lax.broadcasted_iota(jnp.int32, (1, l_ext), 1) % W
    yl = jnp.concatenate([zcol, y_ext[:, :-1]], axis=1) * (
        wpos != 0).astype(jnp.float32)
    yr = jnp.concatenate([y_ext[:, 1:], zcol], axis=1) * (
        wpos != W - 1).astype(jnp.float32)
    acc = jnp.zeros((nchan, l_out), jnp.float32)
    for dy in range(3):
        o = dy * W
        acc = acc + dw[:, 3 * dy : 3 * dy + 1] * yl[:, o : o + l_out]
        acc = acc + dw[:, 3 * dy + 1 : 3 * dy + 2] * y_ext[:, o : o + l_out]
        acc = acc + dw[:, 3 * dy + 2 : 3 * dy + 3] * yr[:, o : o + l_out]
    return acc


def _make_ext(x_mid, x_top, x_bot, ntiles):
    i = pl.program_id(0)
    tfac = jnp.where(i == 0, 0.0, 1.0).astype(jnp.float32)
    bfac = jnp.where(i == ntiles - 1, 0.0, 1.0).astype(jnp.float32)
    return jnp.concatenate(
        [x_top[...] * tfac, x_mid[...], x_bot[...] * bfac], axis=1)


def _qk_tile(x_mid, x_top, x_bot, wqk_ref, dw_ref, th):
    ext = _make_ext(x_mid, x_top, x_bot, H // th)
    y = jax.lax.dot_general(
        wqk_ref[...], ext, (((1,), (0,)), ((), ())),
        preferred_element_type=jnp.float32)
    return _dwconv_flat(y, dw_ref, 2 * C_IN, th)


def _pass_a_body(x_mid, x_top, x_bot, wqk_ref, dw_ref, nrm_ref, qk_ref):
    i = pl.program_id(0)
    qk = _qk_tile(x_mid, x_top, x_bot, wqk_ref, dw_ref, TH_A)
    qk_ref[...] = qk
    q = qk[:C_IN, :]
    k = qk[C_IN:, :]
    rsq = jnp.sum(q * q, axis=1).reshape(1, C_IN)
    rsk = jnp.sum(k * k, axis=1).reshape(1, C_IN)
    nrm_part = jnp.concatenate([rsq, rsk], axis=0)

    @pl.when(i == 0)
    def _():
        nrm_ref[...] = nrm_part

    @pl.when(i != 0)
    def _():
        nrm_ref[...] += nrm_part


def _pass_a2_body(qk_ref, nrm_ref, s_ref):
    i = pl.program_id(0)
    qk = qk_ref[...]
    den = jnp.maximum(jnp.sqrt(nrm_ref[...]), 1e-12)
    qh = qk[:C_IN, :] / den[0:1, :].reshape(C_IN, 1)
    kh = qk[C_IN:, :] / den[1:2, :].reshape(C_IN, 1)
    s_part = jax.lax.dot_general(
        qh, kh, (((1,), (1,)), ((), ())),
        preferred_element_type=jnp.float32)

    @pl.when(i == 0)
    def _():
        s_ref[...] = s_part

    @pl.when(i != 0)
    def _():
        s_ref[...] += s_part


def _pass_b_body(s_ref, temp_ref, aa_ref, a_ref):
    hper = C_IN // 2
    jlt = (jax.lax.broadcasted_iota(jnp.int32, (1, hper, hper), 2)
           < jax.lax.broadcasted_iota(jnp.int32, (1, hper, hper), 1))
    zblk = jnp.zeros((hper, hper), jnp.float32)
    a_ref[:hper, hper:] = zblk
    a_ref[hper:, :hper] = zblk
    for h in range(2):
        sl = slice(h * hper, (h + 1) * hper)
        attn = s_ref[sl, sl] * temp_ref[0, h]
        beats = ((attn[:, None, :] > attn[:, :, None])
                 | ((attn[:, None, :] == attn[:, :, None]) & jlt))
        rank = jnp.sum(beats.astype(jnp.float32), axis=2)
        acc = jnp.zeros((hper, hper), jnp.float32)
        for bi, kk in enumerate((hper // 2, hper * 2 // 3, hper * 3 // 4,
                                 hper * 4 // 5)):
            m = rank < kk
            amk = jnp.where(m, attn, -_BIG)
            rmax = jnp.max(amk, axis=1, keepdims=True)
            e = jnp.exp(amk - rmax) * m.astype(jnp.float32)
            sm = e / jnp.sum(e, axis=1, keepdims=True)
            acc = acc + aa_ref[0, bi] * sm
        a_ref[sl, sl] = acc


def _pass_c_body(x_mid, x_top, x_bot, wv_ref, dw_ref, a_ref, p_ref, out_ref):
    ext = _make_ext(x_mid, x_top, x_bot, H // TH_C)
    y = jax.lax.dot_general(
        wv_ref[...], ext, (((1,), (0,)), ((), ())),
        preferred_element_type=jnp.float32)
    v = _dwconv_flat(y, dw_ref, C_IN, TH_C)
    u = jax.lax.dot_general(
        a_ref[...], v, (((1,), (0,)), ((), ())),
        preferred_element_type=jnp.float32)
    out_ref[...] = jax.lax.dot_general(
        p_ref[...], u, (((1,), (0,)), ((), ())),
        preferred_element_type=jnp.float32)


@functools.partial(jax.jit, static_argnames=())
def kernel(x, w_qkv, w_dw, w_proj, temperature, a1, a2, a3, a4):
    xf = x.reshape(C_IN, N)
    wqk = w_qkv[: 2 * C_IN, :, 0, 0]
    wv = w_qkv[2 * C_IN :, :, 0, 0]
    dwqk = w_dw[: 2 * C_IN, 0].reshape(2 * C_IN, 9)
    dwv = w_dw[2 * C_IN :, 0].reshape(C_IN, 9)
    p = w_proj[:, :, 0, 0]
    temp = temperature.reshape(1, 2)
    aa = jnp.concatenate([a1, a2, a3, a4]).reshape(1, 4)

    def xspecs(th):
        return [pl.BlockSpec((C_IN, th * W), lambda i: (0, i)),
                pl.BlockSpec((C_IN, W),
                             lambda i: (0, jnp.maximum(i * th - 1, 0))),
                pl.BlockSpec((C_IN, W),
                             lambda i: (0, jnp.minimum((i + 1) * th, H - 1)))]
    full = lambda shape: pl.BlockSpec(shape, lambda i: (0, 0))

    nrm, qk_hbm = pl.pallas_call(
        _pass_a_body,
        grid=(H // TH_A,),
        in_specs=xspecs(TH_A) + [
                  full((2 * C_IN, C_IN)), full((2 * C_IN, 9))],
        out_specs=[full((2, C_IN)),
                   pl.BlockSpec((2 * C_IN, TH_A * W), lambda i: (0, i))],
        out_shape=[jax.ShapeDtypeStruct((2, C_IN), jnp.float32),
                   jax.ShapeDtypeStruct((2 * C_IN, N), jnp.float32)],
        compiler_params=pltpu.CompilerParams(
            dimension_semantics=("arbitrary",)),
    )(xf, xf, xf, wqk, dwqk)

    s = pl.pallas_call(
        _pass_a2_body,
        grid=(H // TH_S,),
        in_specs=[pl.BlockSpec((2 * C_IN, TH_S * W), lambda i: (0, i)),
                  full((2, C_IN))],
        out_specs=full((C_IN, C_IN)),
        out_shape=jax.ShapeDtypeStruct((C_IN, C_IN), jnp.float32),
        compiler_params=pltpu.CompilerParams(
            dimension_semantics=("arbitrary",)),
    )(qk_hbm, nrm)

    a_comb = pl.pallas_call(
        _pass_b_body,
        out_shape=jax.ShapeDtypeStruct((C_IN, C_IN), jnp.float32),
    )(s, temp, aa)

    out = pl.pallas_call(
        _pass_c_body,
        grid=(H // TH_C,),
        in_specs=xspecs(TH_C) + [
                  full((C_IN, C_IN)), full((C_IN, 9)),
                  full((C_IN, C_IN)), full((C_IN, C_IN))],
        out_specs=pl.BlockSpec((C_IN, TH_C * W), lambda i: (0, i)),
        out_shape=jax.ShapeDtypeStruct((C_IN, N), jnp.float32),
        compiler_params=pltpu.CompilerParams(
            dimension_semantics=("arbitrary",)),
    )(xf, xf, xf, wv, dwv, a_comb, p)

    return out.reshape(1, C_IN, H, W)

# --- scband reference (transcript-rebuilt; emitter-appended) ---
"""Pipeline reference for scband-drsformer-ref-fusion-89146341196102 (READ-ONLY COPY).

The authoritative reference and input builder live on the scoring server;
editing this copy changes nothing except your own understanding.
"""

import jax, jax.numpy as jnp
import numpy as np

DIM = 96
HEADS = 2
HW = 384


def _conv(x, w, pad, groups=1):
    return jax.lax.conv_general_dilated(
        x, w, window_strides=(1, 1), padding=[(pad, pad), (pad, pad)],
        feature_group_count=groups,
        dimension_numbers=('NCHW', 'OIHW', 'NCHW'))


def setup_inputs(seed: int = 0) -> dict:
    key = jax.random.key(seed)
    ks = jax.random.split(key, 5)
    x = jax.random.normal(ks[0], (1, DIM, HW, HW), dtype=jnp.float32)
    w_qkv = jax.random.normal(ks[1], (DIM * 3, DIM, 1, 1), dtype=jnp.float32) * 0.05
    w_dw = jax.random.normal(ks[2], (DIM * 3, 1, 3, 3), dtype=jnp.float32) * 0.05
    w_proj = jax.random.normal(ks[3], (DIM, DIM, 1, 1), dtype=jnp.float32) * 0.05
    temperature = jnp.ones((HEADS, 1, 1), dtype=jnp.float32)
    a1 = jnp.array([0.2], dtype=jnp.float32)
    a2 = jnp.array([0.2], dtype=jnp.float32)
    a3 = jnp.array([0.2], dtype=jnp.float32)
    a4 = jnp.array([0.2], dtype=jnp.float32)
    return {'x': x, 'w_qkv': w_qkv, 'w_dw': w_dw, 'w_proj': w_proj,
            'temperature': temperature, 'a1': a1, 'a2': a2, 'a3': a3, 'a4': a4}


def reference(x, w_qkv, w_dw, w_proj, temperature, a1, a2, a3, a4):
    b, c, h, w = x.shape
    heads = temperature.shape[0]
    qkv = _conv(x, w_qkv, 0)
    qkv = _conv(qkv, w_dw, 1, groups=c * 3)
    q, k, v = jnp.split(qkv, 3, axis=1)
    q = q.reshape(b, heads, c // heads, h * w)
    k = k.reshape(b, heads, c // heads, h * w)
    v = v.reshape(b, heads, c // heads, h * w)
    q = q / jnp.maximum(jnp.linalg.norm(q, axis=-1, keepdims=True), 1e-12)
    k = k / jnp.maximum(jnp.linalg.norm(k, axis=-1, keepdims=True), 1e-12)
    C = q.shape[2]
    attn = jnp.einsum('bhcn,bhdn->bhcd', q, k) * temperature

    def branch(kk):
        _, idx = jax.lax.top_k(attn, kk)
        mask = jax.nn.one_hot(idx, C, dtype=attn.dtype).sum(axis=-2)
        a = jnp.where(mask > 0, attn, jnp.full_like(attn, -jnp.inf))
        return jax.nn.softmax(a, axis=-1)

    attn1 = branch(C // 2)
    attn2 = branch(C * 2 // 3)
    attn3 = branch(C * 3 // 4)
    attn4 = branch(C * 4 // 5)
    out = ((attn1 @ v) * a1 + (attn2 @ v) * a2
           + (attn3 @ v) * a3 + (attn4 @ v) * a4)
    out = out.reshape(b, c, h, w)
    out = _conv(out, w_proj, 0)
    return out

if __name__ == "__main__":
    import jax
    _d = setup_inputs()
    print(jax.jit(kernel)(*tuple(_d.values())))

</pallas_src>

<mosaic_0001>
module attributes {stable_mosaic.version = 14 : i64} {
  func.func @_pass_a2_body(%arg0: i32, %arg1: memref<192x9216xf32, #tpu.memory_space<vmem>>, %arg2: memref<2x96xf32, #tpu.memory_space<vmem>>, %arg3: memref<96x96xf32, #tpu.memory_space<vmem>>) attributes {dimension_semantics = [#tpu.dimension_semantics<arbitrary>], iteration_bounds = array<i64: 16>, scalar_prefetch = 0 : i64, scratch_operands = 0 : i64, tpu.core_type = #tpu.core_type<tc>, window_params = [{transform_indices = @transform_0, window_bounds = array<i64: 192, 9216>}, {pipeline_mode = #tpu.pipeline_mode<synchronous>, transform_indices = @transform_1, window_bounds = array<i64: 2, 96>}, {pipeline_mode = #tpu.pipeline_mode<synchronous>, transform_indices = @transform_2, window_bounds = array<i64: 96, 96>}]} {
    %get3A = arith.constant 0 : index
    %get3A_0 = arith.constant 0 : index
    %get3A_1 = vector.load %arg1[%get3A, %get3A_0] : memref<192x9216xf32, #tpu.memory_space<vmem>>, vector<192x9216xf32>
    %get3A_2 = arith.constant 0 : index
    %get3A_3 = arith.constant 0 : index
    %get3A_4 = vector.load %arg2[%get3A_2, %get3A_3] : memref<2x96xf32, #tpu.memory_space<vmem>>, vector<2x96xf32>
    %sqrt3A = math.sqrt %get3A_4 : vector<2x96xf32>
    %max3A = arith.constant 9.99999996E-13 : f32
    %max3A_5 = vector.broadcast %max3A : f32 to vector<2x96xf32>
    %max3A_6 = arith.maximumf %sqrt3A, %max3A_5 : vector<2x96xf32>
    %slice3A = vector.extract_strided_slice %get3A_1 {offsets = [0, 0], sizes = [96, 9216], strides = [1, 1]} : vector<192x9216xf32> to vector<96x9216xf32>
    %slice3A_7 = vector.extract_strided_slice %max3A_6 {offsets = [0, 0], sizes = [1, 96], strides = [1, 1]} : vector<2x96xf32> to vector<1x96xf32>
    %reshape3A = vector.shape_cast %slice3A_7 : vector<1x96xf32> to vector<96x1xf32>
    %div3A = vector.broadcast %reshape3A : vector<96x1xf32> to vector<96x9216xf32>
    %div3A_8 = arith.divf %slice3A, %div3A : vector<96x9216xf32>
    %slice3A_9 = vector.extract_strided_slice %get3A_1 {offsets = [96, 0], sizes = [96, 9216], strides = [1, 1]} : vector<192x9216xf32> to vector<96x9216xf32>
    %slice3A_10 = vector.extract_strided_slice %max3A_6 {offsets = [1, 0], sizes = [1, 96], strides = [1, 1]} : vector<2x96xf32> to vector<1x96xf32>
    %reshape3A_11 = vector.shape_cast %slice3A_10 : vector<1x96xf32> to vector<96x1xf32>
    %div3A_12 = vector.broadcast %reshape3A_11 : vector<96x1xf32> to vector<96x9216xf32>
    %div3A_13 = arith.divf %slice3A_9, %div3A_12 : vector<96x9216xf32>
    %dot_general3A = arith.constant dense<0.000000e+00> : vector<96x96xf32>
    %dot_general3A_14 = tpu.matmul %div3A_8, %div3A_13, %dot_general3A {dimension_numbers = #tpu.dot_dimension_numbers<[1], [1], [0], [0], [0, 0, 1, 0], [], []>, transpose_lhs_hint = false} : vector<96x9216xf32>, vector<96x9216xf32>, vector<96x96xf32> -> vector<96x96xf32>
    %eq3A = arith.constant 0 : i32
    %eq3A_15 = arith.cmpi eq, %arg0, %eq3A : i32
    %convert_element_type3A = arith.extui %eq3A_15 : i1 to i32
    %cond3A = arith.constant 0 : i32
    %cond3A_16 = arith.cmpi ne, %convert_element_type3A, %cond3A : i32
    scf.if %cond3A_16 {
      %swap3A = arith.constant 0 : index
      %swap3A_21 = arith.constant 0 : index
      %swap3A_22 = vector.load %arg3[%swap3A, %swap3A_21] : memref<96x96xf32, #tpu.memory_space<vmem>>, vector<96x96xf32>
      tpu.vector_store %arg3[%swap3A, %swap3A_21], %dot_general3A_14 {strides = array<i32>} : memref<96x96xf32, #tpu.memory_space<vmem>>, vector<96x96xf32>,
    } else {
    }
    %ne3A = arith.constant 0 : i32
    %ne3A_17 = arith.cmpi ne, %arg0, %ne3A : i32
    %convert_element_type3A_18 = arith.extui %ne3A_17 : i1 to i32
    %cond3A_19 = arith.constant 0 : i32
    %cond3A_20 = arith.cmpi ne, %convert_element_type3A_18, %cond3A_19 : i32
    scf.if %cond3A_20 {
      %get3A_21 = arith.constant 0 : index
      %get3A_22 = arith.constant 0 : index
      %get3A_23 = vector.load %arg3[%get3A_21, %get3A_22] : memref<96x96xf32, #tpu.memory_space<vmem>>, vector<96x96xf32>
      %add3A = arith.addf %get3A_23, %dot_general3A_14 : vector<96x96xf32>
      %swap3A = arith.constant 0 : index
      %swap3A_24 = arith.constant 0 : index
      %swap3A_25 = vector.load %arg3[%swap3A, %swap3A_24] : memref<96x96xf32, #tpu.memory_space<vmem>>, vector<96x96xf32>
      tpu.vector_store %arg3[%swap3A, %swap3A_24], %add3A {strides = array<i32>} : memref<96x96xf32, #tpu.memory_space<vmem>>, vector<96x96xf32>,
    } else {
    }
    return
  }
  func.func @transform_0(%arg0: i32) -> (i32, i32) {
    %c0_i32 = arith.constant 0 : i32
    %c0_i32_0 = arith.constant 0 : i32
    return %c0_i32, %arg0 : i32, i32
  }
  func.func @transform_1(%arg0: i32) -> (i32, i32) {
    %c0_i32 = arith.constant 0 : i32
    %c0_i32_0 = arith.constant 0 : i32
    %c0_i32_1 = arith.constant 0 : i32
    return %c0_i32, %c0_i32_0 : i32, i32
  }
  func.func @transform_2(%arg0: i32) -> (i32, i32) {
    %c0_i32 = arith.constant 0 : i32
    %c0_i32_0 = arith.constant 0 : i32
    %c0_i32_1 = arith.constant 0 : i32
    return %c0_i32, %c0_i32_0 : i32, i32
  }
}

module attributes {stable_mosaic.version = 14 : i64} {
  func.func @_pass_a_body(%arg0: i32, %arg1: memref<96x3072xf32, #tpu.memory_space<vmem>>, %arg2: memref<96x384xf32, #tpu.memory_space<vmem>>, %arg3: memref<96x384xf32, #tpu.memory_space<vmem>>, %arg4: memref<192x96xf32, #tpu.memory_space<vmem>>, %arg5: memref<192x9xf32, #tpu.memory_space<vmem>>, %arg6: memref<2x96xf32, #tpu.memory_space<vmem>>, %arg7: memref<192x3072xf32, #tpu.memory_space<vmem>>) attributes {dimension_semantics = [#tpu.dimension_semantics<arbitrary>], iteration_bounds = array<i64: 48>, scalar_prefetch = 0 : i64, scratch_operands = 0 : i64, tpu.core_type = #tpu.core_type<tc>, window_params = [{transform_indices = @transform_0, window_bounds = array<i64: 96, 3072>}, {transform_indices = @transform_1, window_bounds = array<i64: 96, 384>}, {transform_indices = @transform_2, window_bounds = array<i64: 96, 384>}, {pipeline_mode = #tpu.pipeline_mode<synchronous>, transform_indices = @transform_3, window_bounds = array<i64: 192, 96>}, {pipeline_mode = #tpu.pipeline_mode<synchronous>, transform_indices = @transform_4, window_bounds = array<i64: 192, 9>}, {pipeline_mode = #tpu.pipeline_mode<synchronous>, transform_indices = @transform_5, window_bounds = array<i64: 2, 96>}, {transform_indices = @transform_6, window_bounds = array<i64: 192, 3072>}]} {
    %eq3A = arith.constant 0 : i32
    %eq3A_0 = arith.cmpi eq, %arg0, %eq3A : i32
    %jit3A = arith.constant 0.000000e+00 : f32
    %jit3A_1 = arith.constant 1.000000e+00 : f32
    %select_n3A = arith.select %eq3A_0, %jit3A, %jit3A_1 : f32
    %eq3A_2 = arith.constant 47 : i32
    %eq3A_3 = arith.cmpi eq, %arg0, %eq3A_2 : i32
    %jit3A_4 = arith.constant 0.000000e+00 : f32
    %jit3A_5 = arith.constant 1.000000e+00 : f32
    %select_n3A_6 = arith.select %eq3A_3, %jit3A_4, %jit3A_5 : f32
    %get3A = arith.constant 0 : index
    %get3A_7 = arith.constant 0 : index
    %get3A_8 = vector.load %arg2[%get3A, %get3A_7] : memref<96x384xf32, #tpu.memory_space<vmem>>, vector<96x384xf32>
    %mul3A = vector.broadcast %select_n3A : f32 to vector<96x384xf32>
    %mul3A_9 = arith.mulf %get3A_8, %mul3A : vector<96x384xf32>
    %get3A_10 = arith.constant 0 : index
    %get3A_11 = arith.constant 0 : index
    %get3A_12 = vector.load %arg1[%get3A_10, %get3A_11] : memref<96x3072xf32, #tpu.memory_space<vmem>>, vector<96x3072xf32>
    %get3A_13 = arith.constant 0 : index
    %get3A_14 = arith.constant 0 : index
    %get3A_15 = vector.load %arg3[%get3A_13, %get3A_14] : memref<96x384xf32, #tpu.memory_space<vmem>>, vector<96x384xf32>
    %mul3A_16 = vector.broadcast %select_n3A_6 : f32 to vector<96x384xf32>
    %mul3A_17 = arith.mulf %get3A_15, %mul3A_16 : vector<96x384xf32>
    %concatenate3A = tpu.concatenate %mul3A_9, %get3A_12, %mul3A_17 in 1 : vector<96x384xf32>, vector<96x3072xf32>, vector<96x384xf32> -> vector<96x3840xf32>
    %get3A_18 = arith.constant 0 : index
    %get3A_19 = arith.constant 0 : index
    %get3A_20 = vector.load %arg4[%get3A_18, %get3A_19] : memref<192x96xf32, #tpu.memory_space<vmem>>, vector<192x96xf32>
    %dot_general3A = arith.constant dense<0.000000e+00> : vector<192x3840xf32>
    %dot_general3A_21 = tpu.matmul %get3A_20, %concatenate3A, %dot_general3A {dimension_numbers = #tpu.dot_dimension_numbers<[1], [0], [0], [1], [0, 0, 1, 1], [], []>, transpose_lhs_hint = false} : vector<192x96xf32>, vector<96x3840xf32>, vector<192x3840xf32> -> vector<192x3840xf32>
    %convert_element_type3A = arith.truncf %dot_general3A_21 : vector<192x3840xf32> to vector<192x3840xbf16>
    %convert_element_type3A_22 = arith.extf %convert_element_type3A : vector<192x3840xbf16> to vector<192x3840xf32>
    %get3A_23 = arith.constant 0 : index
    %get3A_24 = arith.constant 0 : index
    %get3A_25 = vector.load %arg5[%get3A_23, %get3A_24] : memref<192x9xf32, #tpu.memory_space<vmem>>, vector<192x9xf32>
    %broadcast_in_dim3A = arith.constant 0.000000e+00 : f32
    %broadcast_in_dim3A_26 = vector.broadcast %broadcast_in_dim3A : f32 to vector<192x1xf32>
    %iota3A = tpu.iota {dimensions = array<i32: 1>} : vector<1x3840xi32>
    %jit3A_27 = arith.constant 384 : i32
    %eq3A_28 = arith.constant 0 : i32
    %eq3A_29 = arith.cmpi eq, %jit3A_27, %eq3A_28 : i32
    %jit3A_30 = arith.constant 1 : i32
    %select_n3A_31 = arith.select %eq3A_29, %jit3A_30, %jit3A_27 : i32
    %rem3A = vector.broadcast %select_n3A_31 : i32 to vector<1x3840xi32>
    %rem3A_32 = arith.remsi %iota3A, %rem3A : vector<1x3840xi32>
    %ne3A = arith.constant 0 : i32
    %ne3A_33 = vector.broadcast %ne3A : i32 to vector<1x3840xi32>
    %ne3A_34 = arith.cmpi ne, %rem3A_32, %ne3A_33 : vector<1x3840xi32>
    %lt3A = arith.constant 0 : i32
    %lt3A_35 = vector.broadcast %lt3A : i32 to vector<1x3840xi32>
    %lt3A_36 = arith.cmpi slt, %rem3A_32, %lt3A_35 : vector<1x3840xi32>
    %lt3A_37 = arith.constant 0 : i32
    %lt3A_38 = arith.cmpi slt, %select_n3A_31, %lt3A_37 : i32
    %ne3A_39 = vector.broadcast %lt3A_38 : i1 to vector<1x3840xi1>
    %ne3A_40 = vector.broadcast %ne3A_39 : vector<1x3840xi1> to vector<1x3840xi1>
    %ne3A_41 = arith.xori %lt3A_36, %ne3A_40 : vector<1x3840xi1>
    %and3A = arith.andi %ne3A_41, %ne3A_34 : vector<1x3840xi1>
    %add3A = vector.broadcast %select_n3A_31 : i32 to vector<1x3840xi32>
    %add3A_42 = arith.addi %rem3A_32, %add3A : vector<1x3840xi32>
    %select_n3A_43 = arith.select %and3A, %add3A_42, %rem3A_32 : vector<1x3840xi1>, vector<1x3840xi32>
    %slice3A = vector.extract_strided_slice %convert_element_type3A_22 {offsets = [0, 0], sizes = [192, 3839], strides = [1, 1]} : vector<192x3840xf32> to vector<192x3839xf32>
    %concatenate3A_44 = tpu.concatenate %broadcast_in_dim3A_26, %slice3A in 1 : vector<192x1xf32>, vector<192x3839xf32> -> vector<192x3840xf32>
    %ne3A_45 = arith.constant 0 : i32
    %ne3A_46 = vector.broadcast %ne3A_45 : i32 to vector<1x3840xi32>
    %ne3A_47 = arith.cmpi ne, %select_n3A_43, %ne3A_46 : vector<1x3840xi32>
    %convert_element_type3A_48 = arith.extui %ne3A_47 : vector<1x3840xi1> to vector<1x3840xi32>
    %convert_element_type3A_49 = arith.sitofp %convert_element_type3A_48 : vector<1x3840xi32> to vector<1x3840xf32>
    %mul3A_50 = vector.broadcast %convert_element_type3A_49 : vector<1x3840xf32> to vector<192x3840xf32>
    %mul3A_51 = arith.mulf %concatenate3A_44, %mul3A_50 : vector<192x3840xf32>
    %slice3A_52 = vector.extract_strided_slice %convert_element_type3A_22 {offsets = [0, 1], sizes = [192, 3839], strides = [1, 1]} : vector<192x3840xf32> to vector<192x3839xf32>
    %concatenate3A_53 = tpu.concatenate %slice3A_52, %broadcast_in_dim3A_26 in 1 : vector<192x3839xf32>, vector<192x1xf32> -> vector<192x3840xf32>
    %ne3A_54 = arith.constant 383 : i32
    %ne3A_55 = vector.broadcast %ne3A_54 : i32 to vector<1x3840xi32>
    %ne3A_56 = arith.cmpi ne, %select_n3A_43, %ne3A_55 : vector<1x3840xi32>
    %convert_element_type3A_57 = arith.extui %ne3A_56 : vector<1x3840xi1> to vector<1x3840xi32>
    %convert_element_type3A_58 = arith.sitofp %convert_element_type3A_57 : vector<1x3840xi32> to vector<1x3840xf32>
    %mul3A_59 = vector.broadcast %convert_element_type3A_58 : vector<1x3840xf32> to vector<192x3840xf32>
    %mul3A_60 = arith.mulf %concatenate3A_53, %mul3A_59 : vector<192x3840xf32>
    %broadcast_in_dim3A_61 = arith.constant 0.000000e+00 : f32
    %broadcast_in_dim3A_62 = vector.broadcast %broadcast_in_dim3A_61 : f32 to vector<192x3072xf32>
    %slice3A_63 = vector.extract_strided_slice %get3A_25 {offsets = [0, 0], sizes = [192, 1], strides = [1, 1]} : vector<192x9xf32> to vector<192x1xf32>
    %slice3A_64 = vector.extract_strided_slice %mul3A_51 {offsets = [0, 0], sizes = [192, 3072], strides = [1, 1]} : vector<192x3840xf32> to vector<192x3072xf32>
    %mul3A_65 = vector.broadcast %slice3A_63 : vector<192x1xf32> to vector<192x3072xf32>
    %mul3A_66 = arith.mulf %mul3A_65, %slice3A_64 : vector<192x3072xf32>
    %add3A_67 = arith.addf %broadcast_in_dim3A_62, %mul3A_66 : vector<192x3072xf32>
    %slice3A_68 = vector.extract_strided_slice %get3A_25 {offsets = [0, 1], sizes = [192, 1], strides = [1, 1]} : vector<192x9xf32> to vector<192x1xf32>
    %slice3A_69 = vector.extract_strided_slice %convert_element_type3A_22 {offsets = [0, 0], sizes = [192, 3072], strides = [1, 1]} : vector<192x3840xf32> to vector<192x3072xf32>
    %mul3A_70 = vector.broadcast %slice3A_68 : vector<192x1xf32> to vector<192x3072xf32>
    %mul3A_71 = arith.mulf %mul3A_70, %slice3A_69 : vector<192x3072xf32>
    %add3A_72 = arith.addf %add3A_67, %mul3A_71 : vector<192x3072xf32>
    %slice3A_73 = vector.extract_strided_slice %get3A_25 {offsets = [0, 2], sizes = [192, 1], strides = [1, 1]} : vector<192x9xf32> to vector<192x1xf32>
    %slice3A_74 = vector.extract_strided_slice %mul3A_60 {offsets = [0, 0], sizes = [192, 3072], strides = [1, 1]} : vector<192x3840xf32> to vector<192x3072xf32>
    %mul3A_75 = vector.broadcast %slice3A_73 : vector<192x1xf32> to vector<192x3072xf32>
    %mul3A_76 = arith.mulf %mul3A_75, %slice3A_74 : vector<192x3072xf32>
    %add3A_77 = arith.addf %add3A_72, %mul3A_76 : vector<192x3072xf32>
    %slice3A_78 = vector.extract_strided_slice %get3A_25 {offsets = [0, 3], sizes = [192, 1], strides = [1, 1]} : vector<192x9xf32> to vector<192x1xf32>
    %slice3A_79 = vector.extract_strided_slice %mul3A_51 {offsets = [0, 384], sizes = [192, 3072], strides = [1, 1]} : vector<192x3840xf32> to vector<192x3072xf32>
    %mul3A_80 = vector.broadcast %slice3A_78 : vector<192x1xf32> to vector<192x3072xf32>
    %mul3A_81 = arith.mulf %mul3A_80, %slice3A_79 : vector<192x3072xf32>
    %add3A_82 = arith.addf %add3A_77, %mul3A_81 : vector<192x3072xf32>
    %slice3A_83 = vector.extract_strided_slice %get3A_25 {offsets = [0, 4], sizes = [192, 1], strides = [1, 1]} : vector<192x9xf32> to vector<192x1xf32>
    %slice3A_84 = vector.extract_strided_slice %convert_element_type3A_22 {offsets = [0, 384], sizes = [192, 3072], strides = [1, 1]} : vector<192x3840xf32> to vector<192x3072xf32>
    %mul3A_85 = vector.broadcast %slice3A_83 : vector<192x1xf32> to vector<192x3072xf32>
    %mul3A_86 = arith.mulf %mul3A_85, %slice3A_84 : vector<192x3072xf32>
    %add3A_87 = arith.addf %add3A_82, %mul3A_86 : vector<192x3072xf32>
    %slice3A_88 = vector.extract_strided_slice %get3A_25 {offsets = [0, 5], sizes = [192, 1], strides = [1, 1]} : vector<192x9xf32> to vector<192x1xf32>
    %slice3A_89 = vector.extract_strided_slice %mul3A_60 {offsets = [0, 384], sizes = [192, 3072], strides = [1, 1]} : vector<192x3840xf32> to vector<192x3072xf32>
    %mul3A_90 = vector.broadcast %slice3A_88 : vector<192x1xf32> to vector<192x3072xf32>
    %mul3A_91 = arith.mulf %mul3A_90, %slice3A_89 : vector<192x3072xf32>
    %add3A_92 = arith.addf %add3A_87, %mul3A_91 : vector<192x3072xf32>
    %slice3A_93 = vector.extract_strided_slice %get3A_25 {offsets = [0, 6], sizes = [192, 1], strides = [1, 1]} : vector<192x9xf32> to vector<192x1xf32>
    %slice3A_94 = vector.extract_strided_slice %mul3A_51 {offsets = [0, 768], sizes = [192, 3072], strides = [1, 1]} : vector<192x3840xf32> to vector<192x3072xf32>
    %mul3A_95 = vector.broadcast %slice3A_93 : vector<192x1xf32> to vector<192x3072xf32>
    %mul3A_96 = arith.mulf %mul3A_95, %slice3A_94 : vector<192x3072xf32>
    %add3A_97 = arith.addf %add3A_92, %mul3A_96 : vector<192x3072xf32>
    %slice3A_98 = vector.extract_strided_slice %get3A_25 {offsets = [0, 7], sizes = [192, 1], strides = [1, 1]} : vector<192x9xf32> to vector<192x1xf32>
    %slice3A_99 = vector.extract_strided_slice %convert_element_type3A_22 {offsets = [0, 768], sizes = [192, 3072], strides = [1, 1]} : vector<192x3840xf32> to vector<192x3072xf32>
    %mul3A_100 = vector.broadcast %slice3A_98 : vector<192x1xf32> to vector<192x3072xf32>
    %mul3A_101 = arith.mulf %mul3A_100, %slice3A_99 : vector<192x3072xf32>
    %add3A_102 = arith.addf %add3A_97, %mul3A_101 : vector<192x3072xf32>
    %slice3A_103 = vector.extract_strided_slice %get3A_25 {offsets = [0, 8], sizes = [192, 1], strides = [1, 1]} : vector<192x9xf32> to vector<192x1xf32>
    %slice3A_104 = vector.extract_strided_slice %mul3A_60 {offsets = [0, 768], sizes = [192, 3072], strides = [1, 1]} : vector<192x3840xf32> to vector<192x3072xf32>
    %mul3A_105 = vector.broadcast %slice3A_103 : vector<192x1xf32> to vector<192x3072xf32>
    %mul3A_106 = arith.mulf %mul3A_105, %slice3A_104 : vector<192x3072xf32>
    %add3A_107 = arith.addf %add3A_102, %mul3A_106 : vector<192x3072xf32>
    %swap3A = arith.constant 0 : index
    %swap3A_108 = arith.constant 0 : index
    %swap3A_109 = vector.load %arg7[%swap3A, %swap3A_108] : memref<192x3072xf32, #tpu.memory_space<vmem>>, vector<192x3072xf32>
    tpu.vector_store %arg7[%swap3A, %swap3A_108], %add3A_107 {strides = array<i32>} : memref<192x3072xf32, #tpu.memory_space<vmem>>, vector<192x3072xf32>,
    %slice3A_110 = vector.extract_strided_slice %add3A_107 {offsets = [0, 0], sizes = [96, 3072], strides = [1, 1]} : vector<192x3072xf32> to vector<96x3072xf32>
    %slice3A_111 = vector.extract_strided_slice %add3A_107 {offsets = [96, 0], sizes = [96, 3072], strides = [1, 1]} : vector<192x3072xf32> to vector<96x3072xf32>
    %mul3A_112 = arith.mulf %slice3A_110, %slice3A_110 : vector<96x3072xf32>
    %reduce_sum3A = arith.constant dense<0.000000e+00> : vector<96xf32>
    %reduce_sum3A_113 = vector.multi_reduction <add>, %mul3A_112, %reduce_sum3A [1] : vector<96x3072xf32> to vector<96xf32>
    %reshape3A = vector.shape_cast %reduce_sum3A_113 : vector<96xf32> to vector<1x96xf32>
    %mul3A_114 = arith.mulf %slice3A_111, %slice3A_111 : vector<96x3072xf32>
    %reduce_sum3A_115 = arith.constant dense<0.000000e+00> : vector<96xf32>
    %reduce_sum3A_116 = vector.multi_reduction <add>, %mul3A_114, %reduce_sum3A_115 [1] : vector<96x3072xf32> to vector<96xf32>
    %reshape3A_117 = vector.shape_cast %reduce_sum3A_116 : vector<96xf32> to vector<1x96xf32>
    %concatenate3A_118 = tpu.concatenate %reshape3A, %reshape3A_117 in 0 : vector<1x96xf32>, vector<1x96xf32> -> vector<2x96xf32>
    %eq3A_119 = arith.constant 0 : i32
    %eq3A_120 = arith.cmpi eq, %arg0, %eq3A_119 : i32
    %convert_element_type3A_121 = arith.extui %eq3A_120 : i1 to i32
    %cond3A = arith.constant 0 : i32
    %cond3A_122 = arith.cmpi ne, %convert_element_type3A_121, %cond3A : i32
    scf.if %cond3A_122 {
      %swap3A_128 = arith.constant 0 : index
      %swap3A_129 = arith.constant 0 : index
      %swap3A_130 = vector.load %arg6[%swap3A_128, %swap3A_129] : memref<2x96xf32, #tpu.memory_space<vmem>>, vector<2x96xf32>
      tpu.vector_store %arg6[%swap3A_128, %swap3A_129], %concatenate3A_118 {strides = array<i32>} : memref<2x96xf32, #tpu.memory_space<vmem>>, vector<2x96xf32>,
    } else {
    }
    %ne3A_123 = arith.constant 0 : i32
    %ne3A_124 = arith.cmpi ne, %arg0, %ne3A_123 : i32
    %convert_element_type3A_125 = arith.extui %ne3A_124 : i1 to i32
    %cond3A_126 = arith.constant 0 : i32
    %cond3A_127 = arith.cmpi ne, %convert_element_type3A_125, %cond3A_126 : i32
    scf.if %cond3A_127 {
      %get3A_128 = arith.constant 0 : index
      %get3A_129 = arith.constant 0 : index
      %get3A_130 = vector.load %arg6[%get3A_128, %get3A_129] : memref<2x96xf32, #tpu.memory_space<vmem>>, vector<2x96xf32>
      %add3A_131 = arith.addf %get3A_130, %concatenate3A_118 : vector<2x96xf32>
      %swap3A_132 = arith.constant 0 : index
      %swap3A_133 = arith.constant 0 : index
      %swap3A_134 = vector.load %arg6[%swap3A_132, %swap3A_133] : memref<2x96xf32, #tpu.memory_space<vmem>>, vector<2x96xf32>
      tpu.vector_store %arg6[%swap3A_132, %swap3A_133], %add3A_131 {strides = array<i32>} : memref<2x96xf32, #tpu.memory_space<vmem>>, vector<2x96xf32>,
    } else {
    }
    return
  }
  func.func @transform_0(%arg0: i32) -> (i32, i32) {
    %c0_i32 = arith.constant 0 : i32
    %c0_i32_0 = arith.constant 0 : i32
    return %c0_i32, %arg0 : i32, i32
  }
  func.func @transform_1(%arg0: i32) -> (i32, i32) {
    %mul3A = arith.constant 8 : i32
    %mul3A_0 = arith.muli %arg0, %mul3A : i32
    %sub3A = arith.constant 1 : i32
    %sub3A_1 = arith.subi %mul3A_0, %sub3A : i32
    %max3A = arith.constant 0 : i32
    %max3A_2 = arith.maxsi %sub3A_1, %max3A : i32
    %c0_i32 = arith.constant 0 : i32
    %c0_i32_3 = arith.constant 0 : i32
    return %c0_i32, %max3A_2 : i32, i32
  }
  func.func @transform_2(%arg0: i32) -> (i32, i32) {
    %add3A = arith.constant 1 : i32
    %add3A_0 = arith.addi %arg0, %add3A : i32
    %mul3A = arith.constant 8 : i32
    %mul3A_1 = arith.muli %add3A_0, %mul3A : i32
    %min3A = arith.constant 383 : i32
    %min3A_2 = arith.minsi %mul3A_1, %min3A : i32
    %c0_i32 = arith.constant 0 : i32
    %c0_i32_3 = arith.constant 0 : i32
    return %c0_i32, %min3A_2 : i32, i32
  }
  func.func @transform_3(%arg0: i32) -> (i32, i32) {
    %c0_i32 = arith.constant 0 : i32
    %c0_i32_0 = arith.constant 0 : i32
    %c0_i32_1 = arith.constant 0 : i32
    return %c0_i32, %c0_i32_0 : i32, i32
  }
  func.func @transform_4(%arg0: i32) -> (i32, i32) {
    %c0_i32 = arith.constant 0 : i32
    %c0_i32_0 = arith.constant 0 : i32
    %c0_i32_1 = arith.constant 0 : i32
    return %c0_i32, %c0_i32_0 : i32, i32
  }
  func.func @transform_5(%arg0: i32) -> (i32, i32) {
    %c0_i32 = arith.constant 0 : i32
    %c0_i32_0 = arith.constant 0 : i32
    %c0_i32_1 = arith.constant 0 : i32
    return %c0_i32, %c0_i32_0 : i32, i32
  }
  func.func @transform_6(%arg0: i32) -> (i32, i32) {
    %c0_i32 = arith.constant 0 : i32
    %c0_i32_0 = arith.constant 0 : i32
    return %c0_i32, %arg0 : i32, i32
  }
}

module attributes {stable_mosaic.version = 14 : i64} {
  func.func @_pass_c_body(%arg0: i32, %arg1: memref<96x6144xf32, #tpu.memory_space<vmem>>, %arg2: memref<96x384xf32, #tpu.memory_space<vmem>>, %arg3: memref<96x384xf32, #tpu.memory_space<vmem>>, %arg4: memref<96x96xf32, #tpu.memory_space<vmem>>, %arg5: memref<96x9xf32, #tpu.memory_space<vmem>>, %arg6: memref<96x96xf32, #tpu.memory_space<vmem>>, %arg7: memref<96x96xf32, #tpu.memory_space<vmem>>, %arg8: memref<96x6144xf32, #tpu.memory_space<vmem>>) attributes {dimension_semantics = [#tpu.dimension_semantics<arbitrary>], iteration_bounds = array<i64: 24>, scalar_prefetch = 0 : i64, scratch_operands = 0 : i64, tpu.core_type = #tpu.core_type<tc>, window_params = [{transform_indices = @transform_0, window_bounds = array<i64: 96, 6144>}, {transform_indices = @transform_1, window_bounds = array<i64: 96, 384>}, {transform_indices = @transform_2, window_bounds = array<i64: 96, 384>}, {pipeline_mode = #tpu.pipeline_mode<synchronous>, transform_indices = @transform_3, window_bounds = array<i64: 96, 96>}, {pipeline_mode = #tpu.pipeline_mode<synchronous>, transform_indices = @transform_4, window_bounds = array<i64: 96, 9>}, {pipeline_mode = #tpu.pipeline_mode<synchronous>, transform_indices = @transform_5, window_bounds = array<i64: 96, 96>}, {pipeline_mode = #tpu.pipeline_mode<synchronous>, transform_indices = @transform_6, window_bounds = array<i64: 96, 96>}, {transform_indices = @transform_7, window_bounds = array<i64: 96, 6144>}]} {
    %eq3A = arith.constant 0 : i32
    %eq3A_0 = arith.cmpi eq, %arg0, %eq3A : i32
    %jit3A = arith.constant 0.000000e+00 : f32
    %jit3A_1 = arith.constant 1.000000e+00 : f32
    %select_n3A = arith.select %eq3A_0, %jit3A, %jit3A_1 : f32
    %eq3A_2 = arith.constant 23 : i32
    %eq3A_3 = arith.cmpi eq, %arg0, %eq3A_2 : i32
    %jit3A_4 = arith.constant 0.000000e+00 : f32
    %jit3A_5 = arith.constant 1.000000e+00 : f32
    %select_n3A_6 = arith.select %eq3A_3, %jit3A_4, %jit3A_5 : f32
    %get3A = arith.constant 0 : index
    %get3A_7 = arith.constant 0 : index
    %get3A_8 = vector.load %arg2[%get3A, %get3A_7] : memref<96x384xf32, #tpu.memory_space<vmem>>, vector<96x384xf32>
    %mul3A = vector.broadcast %select_n3A : f32 to vector<96x384xf32>
    %mul3A_9 = arith.mulf %get3A_8, %mul3A : vector<96x384xf32>
    %get3A_10 = arith.constant 0 : index
    %get3A_11 = arith.constant 0 : index
    %get3A_12 = vector.load %arg1[%get3A_10, %get3A_11] : memref<96x6144xf32, #tpu.memory_space<vmem>>, vector<96x6144xf32>
    %get3A_13 = arith.constant 0 : index
    %get3A_14 = arith.constant 0 : index
    %get3A_15 = vector.load %arg3[%get3A_13, %get3A_14] : memref<96x384xf32, #tpu.memory_space<vmem>>, vector<96x384xf32>
    %mul3A_16 = vector.broadcast %select_n3A_6 : f32 to vector<96x384xf32>
    %mul3A_17 = arith.mulf %get3A_15, %mul3A_16 : vector<96x384xf32>
    %concatenate3A = tpu.concatenate %mul3A_9, %get3A_12, %mul3A_17 in 1 : vector<96x384xf32>, vector<96x6144xf32>, vector<96x384xf32> -> vector<96x6912xf32>
    %get3A_18 = arith.constant 0 : index
    %get3A_19 = arith.constant 0 : index
    %get3A_20 = vector.load %arg4[%get3A_18, %get3A_19] : memref<96x96xf32, #tpu.memory_space<vmem>>, vector<96x96xf32>
    %dot_general3A = arith.constant dense<0.000000e+00> : vector<96x6912xf32>
    %dot_general3A_21 = tpu.matmul %get3A_20, %concatenate3A, %dot_general3A {dimension_numbers = #tpu.dot_dimension_numbers<[1], [0], [0], [1], [0, 0, 1, 1], [], []>, transpose_lhs_hint = false} : vector<96x96xf32>, vector<96x6912xf32>, vector<96x6912xf32> -> vector<96x6912xf32>
    %convert_element_type3A = arith.truncf %dot_general3A_21 : vector<96x6912xf32> to vector<96x6912xbf16>
    %convert_element_type3A_22 = arith.extf %convert_element_type3A : vector<96x6912xbf16> to vector<96x6912xf32>
    %get3A_23 = arith.constant 0 : index
    %get3A_24 = arith.constant 0 : index
    %get3A_25 = vector.load %arg5[%get3A_23, %get3A_24] : memref<96x9xf32, #tpu.memory_space<vmem>>, vector<96x9xf32>
    %broadcast_in_dim3A = arith.constant 0.000000e+00 : f32
    %broadcast_in_dim3A_26 = vector.broadcast %broadcast_in_dim3A : f32 to vector<96x1xf32>
    %iota3A = tpu.iota {dimensions = array<i32: 1>} : vector<1x6912xi32>
    %jit3A_27 = arith.constant 384 : i32
    %eq3A_28 = arith.constant 0 : i32
    %eq3A_29 = arith.cmpi eq, %jit3A_27, %eq3A_28 : i32
    %jit3A_30 = arith.constant 1 : i32
    %select_n3A_31 = arith.select %eq3A_29, %jit3A_30, %jit3A_27 : i32
    %rem3A = vector.broadcast %select_n3A_31 : i32 to vector<1x6912xi32>
    %rem3A_32 = arith.remsi %iota3A, %rem3A : vector<1x6912xi32>
    %ne3A = arith.constant 0 : i32
    %ne3A_33 = vector.broadcast %ne3A : i32 to vector<1x6912xi32>
    %ne3A_34 = arith.cmpi ne, %rem3A_32, %ne3A_33 : vector<1x6912xi32>
    %lt3A = arith.constant 0 : i32
    %lt3A_35 = vector.broadcast %lt3A : i32 to vector<1x6912xi32>
    %lt3A_36 = arith.cmpi slt, %rem3A_32, %lt3A_35 : vector<1x6912xi32>
    %lt3A_37 = arith.constant 0 : i32
    %lt3A_38 = arith.cmpi slt, %select_n3A_31, %lt3A_37 : i32
    %ne3A_39 = vector.broadcast %lt3A_38 : i1 to vector<1x6912xi1>
    %ne3A_40 = vector.broadcast %ne3A_39 : vector<1x6912xi1> to vector<1x6912xi1>
    %ne3A_41 = arith.xori %lt3A_36, %ne3A_40 : vector<1x6912xi1>
    %and3A = arith.andi %ne3A_41, %ne3A_34 : vector<1x6912xi1>
    %add3A = vector.broadcast %select_n3A_31 : i32 to vector<1x6912xi32>
    %add3A_42 = arith.addi %rem3A_32, %add3A : vector<1x6912xi32>
    %select_n3A_43 = arith.select %and3A, %add3A_42, %rem3A_32 : vector<1x6912xi1>, vector<1x6912xi32>
    %slice3A = vector.extract_strided_slice %convert_element_type3A_22 {offsets = [0, 0], sizes = [96, 6911], strides = [1, 1]} : vector<96x6912xf32> to vector<96x6911xf32>
    %concatenate3A_44 = tpu.concatenate %broadcast_in_dim3A_26, %slice3A in 1 : vector<96x1xf32>, vector<96x6911xf32> -> vector<96x6912xf32>
    %ne3A_45 = arith.constant 0 : i32
    %ne3A_46 = vector.broadcast %ne3A_45 : i32 to vector<1x6912xi32>
    %ne3A_47 = arith.cmpi ne, %select_n3A_43, %ne3A_46 : vector<1x6912xi32>
    %convert_element_type3A_48 = arith.extui %ne3A_47 : vector<1x6912xi1> to vector<1x6912xi32>
    %convert_element_type3A_49 = arith.sitofp %convert_element_type3A_48 : vector<1x6912xi32> to vector<1x6912xf32>
    %mul3A_50 = vector.broadcast %convert_element_type3A_49 : vector<1x6912xf32> to vector<96x6912xf32>
    %mul3A_51 = arith.mulf %concatenate3A_44, %mul3A_50 : vector<96x6912xf32>
    %slice3A_52 = vector.extract_strided_slice %convert_element_type3A_22 {offsets = [0, 1], sizes = [96, 6911], strides = [1, 1]} : vector<96x6912xf32> to vector<96x6911xf32>
    %concatenate3A_53 = tpu.concatenate %slice3A_52, %broadcast_in_dim3A_26 in 1 : vector<96x6911xf32>, vector<96x1xf32> -> vector<96x6912xf32>
    %ne3A_54 = arith.constant 383 : i32
    %ne3A_55 = vector.broadcast %ne3A_54 : i32 to vector<1x6912xi32>
    %ne3A_56 = arith.cmpi ne, %select_n3A_43, %ne3A_55 : vector<1x6912xi32>
    %convert_element_type3A_57 = arith.extui %ne3A_56 : vector<1x6912xi1> to vector<1x6912xi32>
    %convert_element_type3A_58 = arith.sitofp %convert_element_type3A_57 : vector<1x6912xi32> to vector<1x6912xf32>
    %mul3A_59 = vector.broadcast %convert_element_type3A_58 : vector<1x6912xf32> to vector<96x6912xf32>
    %mul3A_60 = arith.mulf %concatenate3A_53, %mul3A_59 : vector<96x6912xf32>
    %broadcast_in_dim3A_61 = arith.constant 0.000000e+00 : f32
    %broadcast_in_dim3A_62 = vector.broadcast %broadcast_in_dim3A_61 : f32 to vector<96x6144xf32>
    %slice3A_63 = vector.extract_strided_slice %get3A_25 {offsets = [0, 0], sizes = [96, 1], strides = [1, 1]} : vector<96x9xf32> to vector<96x1xf32>
    %slice3A_64 = vector.extract_strided_slice %mul3A_51 {offsets = [0, 0], sizes = [96, 6144], strides = [1, 1]} : vector<96x6912xf32> to vector<96x6144xf32>
    %mul3A_65 = vector.broadcast %slice3A_63 : vector<96x1xf32> to vector<96x6144xf32>
    %mul3A_66 = arith.mulf %mul3A_65, %slice3A_64 : vector<96x6144xf32>
    %add3A_67 = arith.addf %broadcast_in_dim3A_62, %mul3A_66 : vector<96x6144xf32>
    %slice3A_68 = vector.extract_strided_slice %get3A_25 {offsets = [0, 1], sizes = [96, 1], strides = [1, 1]} : vector<96x9xf32> to vector<96x1xf32>
    %slice3A_69 = vector.extract_strided_slice %convert_element_type3A_22 {offsets = [0, 0], sizes = [96, 6144], strides = [1, 1]} : vector<96x6912xf32> to vector<96x6144xf32>
    %mul3A_70 = vector.broadcast %slice3A_68 : vector<96x1xf32> to vector<96x6144xf32>
    %mul3A_71 = arith.mulf %mul3A_70, %slice3A_69 : vector<96x6144xf32>
    %add3A_72 = arith.addf %add3A_67, %mul3A_71 : vector<96x6144xf32>
    %slice3A_73 = vector.extract_strided_slice %get3A_25 {offsets = [0, 2], sizes = [96, 1], strides = [1, 1]} : vector<96x9xf32> to vector<96x1xf32>
    %slice3A_74 = vector.extract_strided_slice %mul3A_60 {offsets = [0, 0], sizes = [96, 6144], strides = [1, 1]} : vector<96x6912xf32> to vector<96x6144xf32>
    %mul3A_75 = vector.broadcast %slice3A_73 : vector<96x1xf32> to vector<96x6144xf32>
    %mul3A_76 = arith.mulf %mul3A_75, %slice3A_74 : vector<96x6144xf32>
    %add3A_77 = arith.addf %add3A_72, %mul3A_76 : vector<96x6144xf32>
    %slice3A_78 = vector.extract_strided_slice %get3A_25 {offsets = [0, 3], sizes = [96, 1], strides = [1, 1]} : vector<96x9xf32> to vector<96x1xf32>
    %slice3A_79 = vector.extract_strided_slice %mul3A_51 {offsets = [0, 384], sizes = [96, 6144], strides = [1, 1]} : vector<96x6912xf32> to vector<96x6144xf32>
    %mul3A_80 = vector.broadcast %slice3A_78 : vector<96x1xf32> to vector<96x6144xf32>
    %mul3A_81 = arith.mulf %mul3A_80, %slice3A_79 : vector<96x6144xf32>
    %add3A_82 = arith.addf %add3A_77, %mul3A_81 : vector<96x6144xf32>
    %slice3A_83 = vector.extract_strided_slice %get3A_25 {offsets = [0, 4], sizes = [96, 1], strides = [1, 1]} : vector<96x9xf32> to vector<96x1xf32>
    %slice3A_84 = vector.extract_strided_slice %convert_element_type3A_22 {offsets = [0, 384], sizes = [96, 6144], strides = [1, 1]} : vector<96x6912xf32> to vector<96x6144xf32>
    %mul3A_85 = vector.broadcast %slice3A_83 : vector<96x1xf32> to vector<96x6144xf32>
    %mul3A_86 = arith.mulf %mul3A_85, %slice3A_84 : vector<96x6144xf32>
    %add3A_87 = arith.addf %add3A_82, %mul3A_86 : vector<96x6144xf32>
    %slice3A_88 = vector.extract_strided_slice %get3A_25 {offsets = [0, 5], sizes = [96, 1], strides = [1, 1]} : vector<96x9xf32> to vector<96x1xf32>
    %slice3A_89 = vector.extract_strided_slice %mul3A_60 {offsets = [0, 384], sizes = [96, 6144], strides = [1, 1]} : vector<96x6912xf32> to vector<96x6144xf32>
    %mul3A_90 = vector.broadcast %slice3A_88 : vector<96x1xf32> to vector<96x6144xf32>
    %mul3A_91 = arith.mulf %mul3A_90, %slice3A_89 : vector<96x6144xf32>
    %add3A_92 = arith.addf %add3A_87, %mul3A_91 : vector<96x6144xf32>
    %slice3A_93 = vector.extract_strided_slice %get3A_25 {offsets = [0, 6], sizes = [96, 1], strides = [1, 1]} : vector<96x9xf32> to vector<96x1xf32>
    %slice3A_94 = vector.extract_strided_slice %mul3A_51 {offsets = [0, 768], sizes = [96, 6144], strides = [1, 1]} : vector<96x6912xf32> to vector<96x6144xf32>
    %mul3A_95 = vector.broadcast %slice3A_93 : vector<96x1xf32> to vector<96x6144xf32>
    %mul3A_96 = arith.mulf %mul3A_95, %slice3A_94 : vector<96x6144xf32>
    %add3A_97 = arith.addf %add3A_92, %mul3A_96 : vector<96x6144xf32>
    %slice3A_98 = vector.extract_strided_slice %get3A_25 {offsets = [0, 7], sizes = [96, 1], strides = [1, 1]} : vector<96x9xf32> to vector<96x1xf32>
    %slice3A_99 = vector.extract_strided_slice %convert_element_type3A_22 {offsets = [0, 768], sizes = [96, 6144], strides = [1, 1]} : vector<96x6912xf32> to vector<96x6144xf32>
    %mul3A_100 = vector.broadcast %slice3A_98 : vector<96x1xf32> to vector<96x6144xf32>
    %mul3A_101 = arith.mulf %mul3A_100, %slice3A_99 : vector<96x6144xf32>
    %add3A_102 = arith.addf %add3A_97, %mul3A_101 : vector<96x6144xf32>
    %slice3A_103 = vector.extract_strided_slice %get3A_25 {offsets = [0, 8], sizes = [96, 1], strides = [1, 1]} : vector<96x9xf32> to vector<96x1xf32>
    %slice3A_104 = vector.extract_strided_slice %mul3A_60 {offsets = [0, 768], sizes = [96, 6144], strides = [1, 1]} : vector<96x6912xf32> to vector<96x6144xf32>
    %mul3A_105 = vector.broadcast %slice3A_103 : vector<96x1xf32> to vector<96x6144xf32>
    %mul3A_106 = arith.mulf %mul3A_105, %slice3A_104 : vector<96x6144xf32>
    %add3A_107 = arith.addf %add3A_102, %mul3A_106 : vector<96x6144xf32>
    %get3A_108 = arith.constant 0 : index
    %get3A_109 = arith.constant 0 : index
    %get3A_110 = vector.load %arg6[%get3A_108, %get3A_109] : memref<96x96xf32, #tpu.memory_space<vmem>>, vector<96x96xf32>
    %dot_general3A_111 = arith.constant dense<0.000000e+00> : vector<96x6144xf32>
    %dot_general3A_112 = tpu.matmul %get3A_110, %add3A_107, %dot_general3A_111 {dimension_numbers = #tpu.dot_dimension_numbers<[1], [0], [0], [1], [0, 0, 1, 1], [], []>, transpose_lhs_hint = false} : vector<96x96xf32>, vector<96x6144xf32>, vector<96x6144xf32> -> vector<96x6144xf32>
    %get3A_113 = arith.constant 0 : index
    %get3A_114 = arith.constant 0 : index
    %get3A_115 = vector.load %arg7[%get3A_113, %get3A_114] : memref<96x96xf32, #tpu.memory_space<vmem>>, vector<96x96xf32>
    %dot_general3A_116 = arith.constant dense<0.000000e+00> : vector<96x6144xf32>
    %dot_general3A_117 = tpu.matmul %get3A_115, %dot_general3A_112, %dot_general3A_116 {dimension_numbers = #tpu.dot_dimension_numbers<[1], [0], [0], [1], [0, 0, 1, 1], [], []>, transpose_lhs_hint = false} : vector<96x96xf32>, vector<96x6144xf32>, vector<96x6144xf32> -> vector<96x6144xf32>
    %swap3A = arith.constant 0 : index
    %swap3A_118 = arith.constant 0 : index
    %swap3A_119 = vector.load %arg8[%swap3A, %swap3A_118] : memref<96x6144xf32, #tpu.memory_space<vmem>>, vector<96x6144xf32>
    tpu.vector_store %arg8[%swap3A, %swap3A_118], %dot_general3A_117 {strides = array<i32>} : memref<96x6144xf32, #tpu.memory_space<vmem>>, vector<96x6144xf32>,
    return
  }
  func.func @transform_0(%arg0: i32) -> (i32, i32) {
    %c0_i32 = arith.constant 0 : i32
    %c0_i32_0 = arith.constant 0 : i32
    return %c0_i32, %arg0 : i32, i32
  }
  func.func @transform_1(%arg0: i32) -> (i32, i32) {
    %mul3A = arith.constant 16 : i32
    %mul3A_0 = arith.muli %arg0, %mul3A : i32
    %sub3A = arith.constant 1 : i32
    %sub3A_1 = arith.subi %mul3A_0, %sub3A : i32
    %max3A = arith.constant 0 : i32
    %max3A_2 = arith.maxsi %sub3A_1, %max3A : i32
    %c0_i32 = arith.constant 0 : i32
    %c0_i32_3 = arith.constant 0 : i32
    return %c0_i32, %max3A_2 : i32, i32
  }
  func.func @transform_2(%arg0: i32) -> (i32, i32) {
    %add3A = arith.constant 1 : i32
    %add3A_0 = arith.addi %arg0, %add3A : i32
    %mul3A = arith.constant 16 : i32
    %mul3A_1 = arith.muli %add3A_0, %mul3A : i32
    %min3A = arith.constant 383 : i32
    %min3A_2 = arith.minsi %mul3A_1, %min3A : i32
    %c0_i32 = arith.constant 0 : i32
    %c0_i32_3 = arith.constant 0 : i32
    return %c0_i32, %min3A_2 : i32, i32
  }
  func.func @transform_3(%arg0: i32) -> (i32, i32) {
    %c0_i32 = arith.constant 0 : i32
    %c0_i32_0 = arith.constant 0 : i32
    %c0_i32_1 = arith.constant 0 : i32
    return %c0_i32, %c0_i32_0 : i32, i32
  }
  func.func @transform_4(%arg0: i32) -> (i32, i32) {
    %c0_i32 = arith.constant 0 : i32
    %c0_i32_0 = arith.constant 0 : i32
    %c0_i32_1 = arith.constant 0 : i32
    return %c0_i32, %c0_i32_0 : i32, i32
  }
  func.func @transform_5(%arg0: i32) -> (i32, i32) {
    %c0_i32 = arith.constant 0 : i32
    %c0_i32_0 = arith.constant 0 : i32
    %c0_i32_1 = arith.constant 0 : i32
    return %c0_i32, %c0_i32_0 : i32, i32
  }
  func.func @transform_6(%arg0: i32) -> (i32, i32) {
    %c0_i32 = arith.constant 0 : i32
    %c0_i32_0 = arith.constant 0 : i32
    %c0_i32_1 = arith.constant 0 : i32
    return %c0_i32, %c0_i32_0 : i32, i32
  }
  func.func @transform_7(%arg0: i32) -> (i32, i32) {
    %c0_i32 = arith.constant 0 : i32
    %c0_i32_0 = arith.constant 0 : i32
    return %c0_i32, %arg0 : i32, i32
  }
}

module attributes {stable_mosaic.version = 14 : i64} {
  func.func @_pass_b_body(%arg0: memref<96x96xf32, #tpu.memory_space<vmem>>, %arg1: memref<1x2xf32, #tpu.memory_space<vmem>>, %arg2: memref<1x4xf32, #tpu.memory_space<vmem>>, %arg3: memref<96x96xf32, #tpu.memory_space<vmem>>) attributes {dimension_semantics = [], scalar_prefetch = 0 : i64, scratch_operands = 0 : i64, tpu.core_type = #tpu.core_type<tc>} {
    %iota3A = tpu.iota {dimensions = array<i32: 2>} : vector<1x48x48xi32>
    %iota3A_0 = tpu.iota {dimensions = array<i32: 1>} : vector<1x48x48xi32>
    %lt3A = arith.cmpi slt, %iota3A, %iota3A_0 : vector<1x48x48xi32>
    %broadcast_in_dim3A = arith.constant 0.000000e+00 : f32
    %broadcast_in_dim3A_1 = vector.broadcast %broadcast_in_dim3A : f32 to vector<48x48xf32>
    %swap3A = arith.constant 0 : index
    %swap3A_2 = arith.constant 48 : index
    %swap3A_3 = vector.load %arg3[%swap3A, %swap3A_2] : memref<96x96xf32, #tpu.memory_space<vmem>>, vector<48x48xf32>
    tpu.vector_store %arg3[%swap3A, %swap3A_2], %broadcast_in_dim3A_1 {strides = array<i32>} : memref<96x96xf32, #tpu.memory_space<vmem>>, vector<48x48xf32>,
    %swap3A_4 = arith.constant 48 : index
    %swap3A_5 = arith.constant 0 : index
    %swap3A_6 = vector.load %arg3[%swap3A_4, %swap3A_5] : memref<96x96xf32, #tpu.memory_space<vmem>>, vector<48x48xf32>
    tpu.vector_store %arg3[%swap3A_4, %swap3A_5], %broadcast_in_dim3A_1 {strides = array<i32>} : memref<96x96xf32, #tpu.memory_space<vmem>>, vector<48x48xf32>,
    %get3A = arith.constant 0 : index
    %get3A_7 = arith.constant 0 : index
    %get3A_8 = vector.load %arg0[%get3A, %get3A_7] : memref<96x96xf32, #tpu.memory_space<vmem>>, vector<48x48xf32>
    %get3A_9 = arith.constant 0 : index
    %get3A_10 = arith.constant 0 : index
    %get3A_11 = vector.load %arg1[%get3A_9, %get3A_10] : memref<1x2xf32, #tpu.memory_space<vmem>>, vector<1x1xf32>
    %get3A_12 = vector.extract %get3A_11[0, 0] : f32 from vector<1x1xf32>
    %mul3A = vector.broadcast %get3A_12 : f32 to vector<48x48xf32>
    %mul3A_13 = arith.mulf %get3A_8, %mul3A : vector<48x48xf32>
    %broadcast_in_dim3A_14 = vector.shape_cast %mul3A_13 : vector<48x48xf32> to vector<48x1x48xf32>
    %broadcast_in_dim3A_15 = vector.shape_cast %mul3A_13 : vector<48x48xf32> to vector<48x48x1xf32>
    %gt3A = vector.broadcast %broadcast_in_dim3A_14 : vector<48x1x48xf32> to vector<48x48x48xf32>
    %gt3A_16 = vector.broadcast %broadcast_in_dim3A_15 : vector<48x48x1xf32> to vector<48x48x48xf32>
    %gt3A_17 = arith.cmpf ogt, %gt3A, %gt3A_16 : vector<48x48x48xf32>
    %broadcast_in_dim3A_18 = vector.shape_cast %mul3A_13 : vector<48x48xf32> to vector<48x1x48xf32>
    %broadcast_in_dim3A_19 = vector.shape_cast %mul3A_13 : vector<48x48xf32> to vector<48x48x1xf32>
    %eq3A = vector.broadcast %broadcast_in_dim3A_18 : vector<48x1x48xf32> to vector<48x48x48xf32>
    %eq3A_20 = vector.broadcast %broadcast_in_dim3A_19 : vector<48x48x1xf32> to vector<48x48x48xf32>
    %eq3A_21 = arith.cmpf oeq, %eq3A, %eq3A_20 : vector<48x48x48xf32>
    %and3A = vector.broadcast %lt3A : vector<1x48x48xi1> to vector<48x48x48xi1>
    %and3A_22 = arith.andi %eq3A_21, %and3A : vector<48x48x48xi1>
    %or3A = arith.ori %gt3A_17, %and3A_22 : vector<48x48x48xi1>
    %convert_element_type3A = arith.extui %or3A : vector<48x48x48xi1> to vector<48x48x48xi32>
    %convert_element_type3A_23 = arith.sitofp %convert_element_type3A : vector<48x48x48xi32> to vector<48x48x48xf32>
    %reduce_sum3A = arith.constant dense<0.000000e+00> : vector<48x48xf32>
    %reduce_sum3A_24 = vector.multi_reduction <add>, %convert_element_type3A_23, %reduce_sum3A [2] : vector<48x48x48xf32> to vector<48x48xf32>
    %broadcast_in_dim3A_25 = arith.constant 0.000000e+00 : f32
    %broadcast_in_dim3A_26 = vector.broadcast %broadcast_in_dim3A_25 : f32 to vector<48x48xf32>
    %lt3A_27 = arith.constant 2.400000e+01 : f32
    %lt3A_28 = vector.broadcast %lt3A_27 : f32 to vector<48x48xf32>
    %lt3A_29 = arith.cmpf olt, %reduce_sum3A_24, %lt3A_28 : vector<48x48xf32>
    %jit3A = arith.constant -1.000000e+30 : f32
    %broadcast_in_dim3A_30 = vector.broadcast %jit3A : f32 to vector<48x48xf32>
    %select_n3A = arith.select %lt3A_29, %mul3A_13, %broadcast_in_dim3A_30 : vector<48x48xi1>, vector<48x48xf32>
    %reduce_max3A = arith.constant dense<0xFF800000> : vector<48xf32>
    %reduce_max3A_31 = vector.multi_reduction <maximumf>, %select_n3A, %reduce_max3A [1] : vector<48x48xf32> to vector<48xf32>
    %broadcast_in_dim3A_32 = vector.shape_cast %reduce_max3A_31 : vector<48xf32> to vector<48x1xf32>
    %sub3A = vector.broadcast %broadcast_in_dim3A_32 : vector<48x1xf32> to vector<48x48xf32>
    %sub3A_33 = arith.subf %select_n3A, %sub3A : vector<48x48xf32>
    %exp3A = math.exp %sub3A_33 : vector<48x48xf32>
    %convert_element_type3A_34 = arith.extui %lt3A_29 : vector<48x48xi1> to vector<48x48xi32>
    %convert_element_type3A_35 = arith.sitofp %convert_element_type3A_34 : vector<48x48xi32> to vector<48x48xf32>
    %mul3A_36 = arith.mulf %exp3A, %convert_element_type3A_35 : vector<48x48xf32>
    %reduce_sum3A_37 = arith.constant dense<0.000000e+00> : vector<48xf32>
    %reduce_sum3A_38 = vector.multi_reduction <add>, %mul3A_36, %reduce_sum3A_37 [1] : vector<48x48xf32> to vector<48xf32>
    %broadcast_in_dim3A_39 = vector.shape_cast %reduce_sum3A_38 : vector<48xf32> to vector<48x1xf32>
    %div3A = vector.broadcast %broadcast_in_dim3A_39 : vector<48x1xf32> to vector<48x48xf32>
    %div3A_40 = arith.divf %mul3A_36, %div3A : vector<48x48xf32>
    %get3A_41 = arith.constant 0 : index
    %get3A_42 = arith.constant 0 : index
    %get3A_43 = vector.load %arg2[%get3A_41, %get3A_42] : memref<1x4xf32, #tpu.memory_space<vmem>>, vector<1x1xf32>
    %get3A_44 = vector.extract %get3A_43[0, 0] : f32 from vector<1x1xf32>
    %mul3A_45 = vector.broadcast %get3A_44 : f32 to vector<48x48xf32>
    %mul3A_46 = arith.mulf %mul3A_45, %div3A_40 : vector<48x48xf32>
    %add3A = arith.addf %broadcast_in_dim3A_26, %mul3A_46 : vector<48x48xf32>
    %lt3A_47 = arith.constant 3.200000e+01 : f32
    %lt3A_48 = vector.broadcast %lt3A_47 : f32 to vector<48x48xf32>
    %lt3A_49 = arith.cmpf olt, %reduce_sum3A_24, %lt3A_48 : vector<48x48xf32>
    %jit3A_50 = arith.constant -1.000000e+30 : f32
    %broadcast_in_dim3A_51 = vector.broadcast %jit3A_50 : f32 to vector<48x48xf32>
    %select_n3A_52 = arith.select %lt3A_49, %mul3A_13, %broadcast_in_dim3A_51 : vector<48x48xi1>, vector<48x48xf32>
    %reduce_max3A_53 = arith.constant dense<0xFF800000> : vector<48xf32>
    %reduce_max3A_54 = vector.multi_reduction <maximumf>, %select_n3A_52, %reduce_max3A_53 [1] : vector<48x48xf32> to vector<48xf32>
    %broadcast_in_dim3A_55 = vector.shape_cast %reduce_max3A_54 : vector<48xf32> to vector<48x1xf32>
    %sub3A_56 = vector.broadcast %broadcast_in_dim3A_55 : vector<48x1xf32> to vector<48x48xf32>
    %sub3A_57 = arith.subf %select_n3A_52, %sub3A_56 : vector<48x48xf32>
    %exp3A_58 = math.exp %sub3A_57 : vector<48x48xf32>
    %convert_element_type3A_59 = arith.extui %lt3A_49 : vector<48x48xi1> to vector<48x48xi32>
    %convert_element_type3A_60 = arith.sitofp %convert_element_type3A_59 : vector<48x48xi32> to vector<48x48xf32>
    %mul3A_61 = arith.mulf %exp3A_58, %convert_element_type3A_60 : vector<48x48xf32>
    %reduce_sum3A_62 = arith.constant dense<0.000000e+00> : vector<48xf32>
    %reduce_sum3A_63 = vector.multi_reduction <add>, %mul3A_61, %reduce_sum3A_62 [1] : vector<48x48xf32> to vector<48xf32>
    %broadcast_in_dim3A_64 = vector.shape_cast %reduce_sum3A_63 : vector<48xf32> to vector<48x1xf32>
    %div3A_65 = vector.broadcast %broadcast_in_dim3A_64 : vector<48x1xf32> to vector<48x48xf32>
    %div3A_66 = arith.divf %mul3A_61, %div3A_65 : vector<48x48xf32>
    %get3A_67 = arith.constant 0 : index
    %get3A_68 = arith.constant 1 : index
    %get3A_69 = vector.load %arg2[%get3A_67, %get3A_68] : memref<1x4xf32, #tpu.memory_space<vmem>>, vector<1x1xf32>
    %get3A_70 = vector.extract %get3A_69[0, 0] : f32 from vector<1x1xf32>
    %mul3A_71 = vector.broadcast %get3A_70 : f32 to vector<48x48xf32>
    %mul3A_72 = arith.mulf %mul3A_71, %div3A_66 : vector<48x48xf32>
    %add3A_73 = arith.addf %add3A, %mul3A_72 : vector<48x48xf32>
    %lt3A_74 = arith.constant 3.600000e+01 : f32
    %lt3A_75 = vector.broadcast %lt3A_74 : f32 to vector<48x48xf32>
    %lt3A_76 = arith.cmpf olt, %reduce_sum3A_24, %lt3A_75 : vector<48x48xf32>
    %jit3A_77 = arith.constant -1.000000e+30 : f32
    %broadcast_in_dim3A_78 = vector.broadcast %jit3A_77 : f32 to vector<48x48xf32>
    %select_n3A_79 = arith.select %lt3A_76, %mul3A_13, %broadcast_in_dim3A_78 : vector<48x48xi1>, vector<48x48xf32>
    %reduce_max3A_80 = arith.constant dense<0xFF800000> : vector<48xf32>
    %reduce_max3A_81 = vector.multi_reduction <maximumf>, %select_n3A_79, %reduce_max3A_80 [1] : vector<48x48xf32> to vector<48xf32>
    %broadcast_in_dim3A_82 = vector.shape_cast %reduce_max3A_81 : vector<48xf32> to vector<48x1xf32>
    %sub3A_83 = vector.broadcast %broadcast_in_dim3A_82 : vector<48x1xf32> to vector<48x48xf32>
    %sub3A_84 = arith.subf %select_n3A_79, %sub3A_83 : vector<48x48xf32>
    %exp3A_85 = math.exp %sub3A_84 : vector<48x48xf32>
    %convert_element_type3A_86 = arith.extui %lt3A_76 : vector<48x48xi1> to vector<48x48xi32>
    %convert_element_type3A_87 = arith.sitofp %convert_element_type3A_86 : vector<48x48xi32> to vector<48x48xf32>
    %mul3A_88 = arith.mulf %exp3A_85, %convert_element_type3A_87 : vector<48x48xf32>
    %reduce_sum3A_89 = arith.constant dense<0.000000e+00> : vector<48xf32>
    %reduce_sum3A_90 = vector.multi_reduction <add>, %mul3A_88, %reduce_sum3A_89 [1] : vector<48x48xf32> to vector<48xf32>
    %broadcast_in_dim3A_91 = vector.shape_cast %reduce_sum3A_90 : vector<48xf32> to vector<48x1xf32>
    %div3A_92 = vector.broadcast %broadcast_in_dim3A_91 : vector<48x1xf32> to vector<48x48xf32>
    %div3A_93 = arith.divf %mul3A_88, %div3A_92 : vector<48x48xf32>
    %get3A_94 = arith.constant 0 : index
    %get3A_95 = arith.constant 2 : index
    %get3A_96 = vector.load %arg2[%get3A_94, %get3A_95] : memref<1x4xf32, #tpu.memory_space<vmem>>, vector<1x1xf32>
    %get3A_97 = vector.extract %get3A_96[0, 0] : f32 from vector<1x1xf32>
    %mul3A_98 = vector.broadcast %get3A_97 : f32 to vector<48x48xf32>
    %mul3A_99 = arith.mulf %mul3A_98, %div3A_93 : vector<48x48xf32>
    %add3A_100 = arith.addf %add3A_73, %mul3A_99 : vector<48x48xf32>
    %lt3A_101 = arith.constant 3.800000e+01 : f32
    %lt3A_102 = vector.broadcast %lt3A_101 : f32 to vector<48x48xf32>
    %lt3A_103 = arith.cmpf olt, %reduce_sum3A_24, %lt3A_102 : vector<48x48xf32>
    %jit3A_104 = arith.constant -1.000000e+30 : f32
    %broadcast_in_dim3A_105 = vector.broadcast %jit3A_104 : f32 to vector<48x48xf32>
    %select_n3A_106 = arith.select %lt3A_103, %mul3A_13, %broadcast_in_dim3A_105 : vector<48x48xi1>, vector<48x48xf32>
    %reduce_max3A_107 = arith.constant dense<0xFF800000> : vector<48xf32>
    %reduce_max3A_108 = vector.multi_reduction <maximumf>, %select_n3A_106, %reduce_max3A_107 [1] : vector<48x48xf32> to vector<48xf32>
    %broadcast_in_dim3A_109 = vector.shape_cast %reduce_max3A_108 : vector<48xf32> to vector<48x1xf32>
    %sub3A_110 = vector.broadcast %broadcast_in_dim3A_109 : vector<48x1xf32> to vector<48x48xf32>
    %sub3A_111 = arith.subf %select_n3A_106, %sub3A_110 : vector<48x48xf32>
    %exp3A_112 = math.exp %sub3A_111 : vector<48x48xf32>
    %convert_element_type3A_113 = arith.extui %lt3A_103 : vector<48x48xi1> to vector<48x48xi32>
    %convert_element_type3A_114 = arith.sitofp %convert_element_type3A_113 : vector<48x48xi32> to vector<48x48xf32>
    %mul3A_115 = arith.mulf %exp3A_112, %convert_element_type3A_114 : vector<48x48xf32>
    %reduce_sum3A_116 = arith.constant dense<0.000000e+00> : vector<48xf32>
    %reduce_sum3A_117 = vector.multi_reduction <add>, %mul3A_115, %reduce_sum3A_116 [1] : vector<48x48xf32> to vector<48xf32>
    %broadcast_in_dim3A_118 = vector.shape_cast %reduce_sum3A_117 : vector<48xf32> to vector<48x1xf32>
    %div3A_119 = vector.broadcast %broadcast_in_dim3A_118 : vector<48x1xf32> to vector<48x48xf32>
    %div3A_120 = arith.divf %mul3A_115, %div3A_119 : vector<48x48xf32>
    %get3A_121 = arith.constant 0 : index
    %get3A_122 = arith.constant 3 : index
    %get3A_123 = vector.load %arg2[%get3A_121, %get3A_122] : memref<1x4xf32, #tpu.memory_space<vmem>>, vector<1x1xf32>
    %get3A_124 = vector.extract %get3A_123[0, 0] : f32 from vector<1x1xf32>
    %mul3A_125 = vector.broadcast %get3A_124 : f32 to vector<48x48xf32>
    %mul3A_126 = arith.mulf %mul3A_125, %div3A_120 : vector<48x48xf32>
    %add3A_127 = arith.addf %add3A_100, %mul3A_126 : vector<48x48xf32>
    %swap3A_128 = arith.constant 0 : index
    %swap3A_129 = arith.constant 0 : index
    %swap3A_130 = vector.load %arg3[%swap3A_128, %swap3A_129] : memref<96x96xf32, #tpu.memory_space<vmem>>, vector<48x48xf32>
    tpu.vector_store %arg3[%swap3A_128, %swap3A_129], %add3A_127 {strides = array<i32>} : memref<96x96xf32, #tpu.memory_space<vmem>>, vector<48x48xf32>,
    %get3A_131 = arith.constant 48 : index
    %get3A_132 = arith.constant 48 : index
    %get3A_133 = vector.load %arg0[%get3A_131, %get3A_132] : memref<96x96xf32, #tpu.memory_space<vmem>>, vector<48x48xf32>
    %get3A_134 = arith.constant 0 : index
    %get3A_135 = arith.constant 1 : index
    %get3A_136 = vector.load %arg1[%get3A_134, %get3A_135] : memref<1x2xf32, #tpu.memory_space<vmem>>, vector<1x1xf32>
    %get3A_137 = vector.extract %get3A_136[0, 0] : f32 from vector<1x1xf32>
    %mul3A_138 = vector.broadcast %get3A_137 : f32 to vector<48x48xf32>
    %mul3A_139 = arith.mulf %get3A_133, %mul3A_138 : vector<48x48xf32>
    %broadcast_in_dim3A_140 = vector.shape_cast %mul3A_139 : vector<48x48xf32> to vector<48x1x48xf32>
    %broadcast_in_dim3A_141 = vector.shape_cast %mul3A_139 : vector<48x48xf32> to vector<48x48x1xf32>
    %gt3A_142 = vector.broadcast %broadcast_in_dim3A_140 : vector<48x1x48xf32> to vector<48x48x48xf32>
    %gt3A_143 = vector.broadcast %broadcast_in_dim3A_141 : vector<48x48x1xf32> to vector<48x48x48xf32>
    %gt3A_144 = arith.cmpf ogt, %gt3A_142, %gt3A_143 : vector<48x48x48xf32>
    %broadcast_in_dim3A_145 = vector.shape_cast %mul3A_139 : vector<48x48xf32> to vector<48x1x48xf32>
    %broadcast_in_dim3A_146 = vector.shape_cast %mul3A_139 : vector<48x48xf32> to vector<48x48x1xf32>
    %eq3A_147 = vector.broadcast %broadcast_in_dim3A_145 : vector<48x1x48xf32> to vector<48x48x48xf32>
    %eq3A_148 = vector.broadcast %broadcast_in_dim3A_146 : vector<48x48x1xf32> to vector<48x48x48xf32>
    %eq3A_149 = arith.cmpf oeq, %eq3A_147, %eq3A_148 : vector<48x48x48xf32>
    %and3A_150 = vector.broadcast %lt3A : vector<1x48x48xi1> to vector<48x48x48xi1>
    %and3A_151 = arith.andi %eq3A_149, %and3A_150 : vector<48x48x48xi1>
    %or3A_152 = arith.ori %gt3A_144, %and3A_151 : vector<48x48x48xi1>
    %convert_element_type3A_153 = arith.extui %or3A_152 : vector<48x48x48xi1> to vector<48x48x48xi32>
    %convert_element_type3A_154 = arith.sitofp %convert_element_type3A_153 : vector<48x48x48xi32> to vector<48x48x48xf32>
    %reduce_sum3A_155 = arith.constant dense<0.000000e+00> : vector<48x48xf32>
    %reduce_sum3A_156 = vector.multi_reduction <add>, %convert_element_type3A_154, %reduce_sum3A_155 [2] : vector<48x48x48xf32> to vector<48x48xf32>
    %broadcast_in_dim3A_157 = arith.constant 0.000000e+00 : f32
    %broadcast_in_dim3A_158 = vector.broadcast %broadcast_in_dim3A_157 : f32 to vector<48x48xf32>
    %lt3A_159 = arith.constant 2.400000e+01 : f32
    %lt3A_160 = vector.broadcast %lt3A_159 : f32 to vector<48x48xf32>
    %lt3A_161 = arith.cmpf olt, %reduce_sum3A_156, %lt3A_160 : vector<48x48xf32>
    %jit3A_162 = arith.constant -1.000000e+30 : f32
    %broadcast_in_dim3A_163 = vector.broadcast %jit3A_162 : f32 to vector<48x48xf32>
    %select_n3A_164 = arith.select %lt3A_161, %mul3A_139, %broadcast_in_dim3A_163 : vector<48x48xi1>, vector<48x48xf32>
    %reduce_max3A_165 = arith.constant dense<0xFF800000> : vector<48xf32>
    %reduce_max3A_166 = vector.multi_reduction <maximumf>, %select_n3A_164, %reduce_max3A_165 [1] : vector<48x48xf32> to vector<48xf32>
    %broadcast_in_dim3A_167 = vector.shape_cast %reduce_max3A_166 : vector<48xf32> to vector<48x1xf32>
    %sub3A_168 = vector.broadcast %broadcast_in_dim3A_167 : vector<48x1xf32> to vector<48x48xf32>
    %sub3A_169 = arith.subf %select_n3A_164, %sub3A_168 : vector<48x48xf32>
    %exp3A_170 = math.exp %sub3A_169 : vector<48x48xf32>
    %convert_element_type3A_171 = arith.extui %lt3A_161 : vector<48x48xi1> to vector<48x48xi32>
    %convert_element_type3A_172 = arith.sitofp %convert_element_type3A_171 : vector<48x48xi32> to vector<48x48xf32>
    %mul3A_173 = arith.mulf %exp3A_170, %convert_element_type3A_172 : vector<48x48xf32>
    %reduce_sum3A_174 = arith.constant dense<0.000000e+00> : vector<48xf32>
    %reduce_sum3A_175 = vector.multi_reduction <add>, %mul3A_173, %reduce_sum3A_174 [1] : vector<48x48xf32> to vector<48xf32>
    %broadcast_in_dim3A_176 = vector.shape_cast %reduce_sum3A_175 : vector<48xf32> to vector<48x1xf32>
    %div3A_177 = vector.broadcast %broadcast_in_dim3A_176 : vector<48x1xf32> to vector<48x48xf32>
    %div3A_178 = arith.divf %mul3A_173, %div3A_177 : vector<48x48xf32>
    %get3A_179 = arith.constant 0 : index
    %get3A_180 = arith.constant 0 : index
    %get3A_181 = vector.load %arg2[%get3A_179, %get3A_180] : memref<1x4xf32, #tpu.memory_space<vmem>>, vector<1x1xf32>
    %get3A_182 = vector.extract %get3A_181[0, 0] : f32 from vector<1x1xf32>
    %mul3A_183 = vector.broadcast %get3A_182 : f32 to vector<48x48xf32>
    %mul3A_184 = arith.mulf %mul3A_183, %div3A_178 : vector<48x48xf32>
    %add3A_185 = arith.addf %broadcast_in_dim3A_158, %mul3A_184 : vector<48x48xf32>
    %lt3A_186 = arith.constant 3.200000e+01 : f32
    %lt3A_187 = vector.broadcast %lt3A_186 : f32 to vector<48x48xf32>
    %lt3A_188 = arith.cmpf olt, %reduce_sum3A_156, %lt3A_187 : vector<48x48xf32>
    %jit3A_189 = arith.constant -1.000000e+30 : f32
    %broadcast_in_dim3A_190 = vector.broadcast %jit3A_189 : f32 to vector<48x48xf32>
    %select_n3A_191 = arith.select %lt3A_188, %mul3A_139, %broadcast_in_dim3A_190 : vector<48x48xi1>, vector<48x48xf32>
    %reduce_max3A_192 = arith.constant dense<0xFF800000> : vector<48xf32>
    %reduce_max3A_193 = vector.multi_reduction <maximumf>, %select_n3A_191, %reduce_max3A_192 [1] : vector<48x48xf32> to vector<48xf32>
    %broadcast_in_dim3A_194 = vector.shape_cast %reduce_max3A_193 : vector<48xf32> to vector<48x1xf32>
    %sub3A_195 = vector.broadcast %broadcast_in_dim3A_194 : vector<48x1xf32> to vector<48x48xf32>
    %sub3A_196 = arith.subf %select_n3A_191, %sub3A_195 : vector<48x48xf32>
    %exp3A_197 = math.exp %sub3A_196 : vector<48x48xf32>
    %convert_element_type3A_198 = arith.extui %lt3A_188 : vector<48x48xi1> to vector<48x48xi32>
    %convert_element_type3A_199 = arith.sitofp %convert_element_type3A_198 : vector<48x48xi32> to vector<48x48xf32>
    %mul3A_200 = arith.mulf %exp3A_197, %convert_element_type3A_199 : vector<48x48xf32>
    %reduce_sum3A_201 = arith.constant dense<0.000000e+00> : vector<48xf32>
    %reduce_sum3A_202 = vector.multi_reduction <add>, %mul3A_200, %reduce_sum3A_201 [1] : vector<48x48xf32> to vector<48xf32>
    %broadcast_in_dim3A_203 = vector.shape_cast %reduce_sum3A_202 : vector<48xf32> to vector<48x1xf32>
    %div3A_204 = vector.broadcast %broadcast_in_dim3A_203 : vector<48x1xf32> to vector<48x48xf32>
    %div3A_205 = arith.divf %mul3A_200, %div3A_204 : vector<48x48xf32>
    %get3A_206 = arith.constant 0 : index
    %get3A_207 = arith.constant 1 : index
    %get3A_208 = vector.load %arg2[%get3A_206, %get3A_207] : memref<1x4xf32, #tpu.memory_space<vmem>>, vector<1x1xf32>
    %get3A_209 = vector.extract %get3A_208[0, 0] : f32 from vector<1x1xf32>
    %mul3A_210 = vector.broadcast %get3A_209 : f32 to vector<48x48xf32>
    %mul3A_211 = arith.mulf %mul3A_210, %div3A_205 : vector<48x48xf32>
    %add3A_212 = arith.addf %add3A_185, %mul3A_211 : vector<48x48xf32>
    %lt3A_213 = arith.constant 3.600000e+01 : f32
    %lt3A_214 = vector.broadcast %lt3A_213 : f32 to vector<48x48xf32>
    %lt3A_215 = arith.cmpf olt, %reduce_sum3A_156, %lt3A_214 : vector<48x48xf32>
    %jit3A_216 = arith.constant -1.000000e+30 : f32
    %broadcast_in_dim3A_217 = vector.broadcast %jit3A_216 : f32 to vector<48x48xf32>
    %select_n3A_218 = arith.select %lt3A_215, %mul3A_139, %broadcast_in_dim3A_217 : vector<48x48xi1>, vector<48x48xf32>
    %reduce_max3A_219 = arith.constant dense<0xFF800000> : vector<48xf32>
    %reduce_max3A_220 = vector.multi_reduction <maximumf>, %select_n3A_218, %reduce_max3A_219 [1] : vector<48x48xf32> to vector<48xf32>
    %broadcast_in_dim3A_221 = vector.shape_cast %reduce_max3A_220 : vector<48xf32> to vector<48x1xf32>
    %sub3A_222 = vector.broadcast %broadcast_in_dim3A_221 : vector<48x1xf32> to vector<48x48xf32>
    %sub3A_223 = arith.subf %select_n3A_218, %sub3A_222 : vector<48x48xf32>
    %exp3A_224 = math.exp %sub3A_223 : vector<48x48xf32>
    %convert_element_type3A_225 = arith.extui %lt3A_215 : vector<48x48xi1> to vector<48x48xi32>
    %convert_element_type3A_226 = arith.sitofp %convert_element_type3A_225 : vector<48x48xi32> to vector<48x48xf32>
    %mul3A_227 = arith.mulf %exp3A_224, %convert_element_type3A_226 : vector<48x48xf32>
    %reduce_sum3A_228 = arith.constant dense<0.000000e+00> : vector<48xf32>
    %reduce_sum3A_229 = vector.multi_reduction <add>, %mul3A_227, %reduce_sum3A_228 [1] : vector<48x48xf32> to vector<48xf32>
    %broadcast_in_dim3A_230 = vector.shape_cast %reduce_sum3A_229 : vector<48xf32> to vector<48x1xf32>
    %div3A_231 = vector.broadcast %broadcast_in_dim3A_230 : vector<48x1xf32> to vector<48x48xf32>
    %div3A_232 = arith.divf %mul3A_227, %div3A_231 : vector<48x48xf32>
    %get3A_233 = arith.constant 0 : index
    %get3A_234 = arith.constant 2 : index
    %get3A_235 = vector.load %arg2[%get3A_233, %get3A_234] : memref<1x4xf32, #tpu.memory_space<vmem>>, vector<1x1xf32>
    %get3A_236 = vector.extract %get3A_235[0, 0] : f32 from vector<1x1xf32>
    %mul3A_237 = vector.broadcast %get3A_236 : f32 to vector<48x48xf32>
    %mul3A_238 = arith.mulf %mul3A_237, %div3A_232 : vector<48x48xf32>
    %add3A_239 = arith.addf %add3A_212, %mul3A_238 : vector<48x48xf32>
    %lt3A_240 = arith.constant 3.800000e+01 : f32
    %lt3A_241 = vector.broadcast %lt3A_240 : f32 to vector<48x48xf32>
    %lt3A_242 = arith.cmpf olt, %reduce_sum3A_156, %lt3A_241 : vector<48x48xf32>
    %jit3A_243 = arith.constant -1.000000e+30 : f32
    %broadcast_in_dim3A_244 = vector.broadcast %jit3A_243 : f32 to vector<48x48xf32>
    %select_n3A_245 = arith.select %lt3A_242, %mul3A_139, %broadcast_in_dim3A_244 : vector<48x48xi1>, vector<48x48xf32>
    %reduce_max3A_246 = arith.constant dense<0xFF800000> : vector<48xf32>
    %reduce_max3A_247 = vector.multi_reduction <maximumf>, %select_n3A_245, %reduce_max3A_246 [1] : vector<48x48xf32> to vector<48xf32>
    %broadcast_in_dim3A_248 = vector.shape_cast %reduce_max3A_247 : vector<48xf32> to vector<48x1xf32>
    %sub3A_249 = vector.broadcast %broadcast_in_dim3A_248 : vector<48x1xf32> to vector<48x48xf32>
    %sub3A_250 = arith.subf %select_n3A_245, %sub3A_249 : vector<48x48xf32>
    %exp3A_251 = math.exp %sub3A_250 : vector<48x48xf32>
    %convert_element_type3A_252 = arith.extui %lt3A_242 : vector<48x48xi1> to vector<48x48xi32>
    %convert_element_type3A_253 = arith.sitofp %convert_element_type3A_252 : vector<48x48xi32> to vector<48x48xf32>
    %mul3A_254 = arith.mulf %exp3A_251, %convert_element_type3A_253 : vector<48x48xf32>
    %reduce_sum3A_255 = arith.constant dense<0.000000e+00> : vector<48xf32>
    %reduce_sum3A_256 = vector.multi_reduction <add>, %mul3A_254, %reduce_sum3A_255 [1] : vector<48x48xf32> to vector<48xf32>
    %broadcast_in_dim3A_257 = vector.shape_cast %reduce_sum3A_256 : vector<48xf32> to vector<48x1xf32>
    %div3A_258 = vector.broadcast %broadcast_in_dim3A_257 : vector<48x1xf32> to vector<48x48xf32>
    %div3A_259 = arith.divf %mul3A_254, %div3A_258 : vector<48x48xf32>
    %get3A_260 = arith.constant 0 : index
    %get3A_261 = arith.constant 3 : index
    %get3A_262 = vector.load %arg2[%get3A_260, %get3A_261] : memref<1x4xf32, #tpu.memory_space<vmem>>, vector<1x1xf32>
    %get3A_263 = vector.extract %get3A_262[0, 0] : f32 from vector<1x1xf32>
    %mul3A_264 = vector.broadcast %get3A_263 : f32 to vector<48x48xf32>
    %mul3A_265 = arith.mulf %mul3A_264, %div3A_259 : vector<48x48xf32>
    %add3A_266 = arith.addf %add3A_239, %mul3A_265 : vector<48x48xf32>
    %swap3A_267 = arith.constant 48 : index
    %swap3A_268 = arith.constant 48 : index
    %swap3A_269 = vector.load %arg3[%swap3A_267, %swap3A_268] : memref<96x96xf32, #tpu.memory_space<vmem>>, vector<48x48xf32>
    tpu.vector_store %arg3[%swap3A_267, %swap3A_268], %add3A_266 {strides = array<i32>} : memref<96x96xf32, #tpu.memory_space<vmem>>, vector<48x48xf32>,
    return
  }
}

</mosaic_0001>

<sc_bundles>
// kernel: sparse-core-data-format-call.1.cloned.1.call-start
scs
called_computation.1_lowered:
.L_overlay_start_0:
0x0: {  	s2 =	sld [smem:$0x3FD9]  }
0x1: {  	s3 =	sld [smem:$0x3FFE];
	_ =	sdelay $0x1  }
0x2: {  	s1 =	srdreg.scid  }
0x3: {  	s0 =	sand.u32 $0x1, s1  }
0x4: {  	s19 =	sshll.u32 s0, $0xA;
	s2 =	sadd.s32 s3, s2  }
0x5: {  	s2 =	sadd.s32 s2, s19  }
0x6: {  	[smem:$0x3FBF] =	sst s2  }
0x7: {  	_ = 	snop  }
0x8: {  	s2 =	sld [smem:$0x3FC9]  }
0x9: {  	s20 =	sld [smem:$0x3FD0];
	(tm) =	ssettm $0x1  }
0xa: {  	s4 =	sld [smem:$0x3FFB];
	_ =	sdelay $0x3  }
0xb: {  	_ =	strace s4  }
0xc: {  	s4 =	sld [smem:$0x3FFC];
	_ =	sdelay $0x3  }
0xd: {  	_ =	strace s4  }
0xe: {  	s4 =	sld [smem:$0x3FFD];
	_ =	sdelay $0x3  }
0xf: {  	_ =	strace s4  }
0x10: {  	_ =	strace $0x8FFFFFFF  }
0x11: {  	s21 =	sld [smem:$0x3FDB];
	_ =	sdelay $0x1  }
0x12: {  	s5 =	simm.s32 $_scs_section_size  }
0x13: {  	s6 =	simm.s32 $_size__tile_overlayer_lowered;
	s7 =	simm.s32 $_tile_overlayer_lowered  }
0x14: {  	s24 =	simm.s32 $0x1BFF;
	s23 =	sshll.u32 s7, $0x1;
	s4 =	sadd.s32 s5, s21  }
0x15: {  	s8 =	simm.s32 $0x0;
	s22 =	sshll.u32 s6, $0x1;
	s6 =	sadd.s32 s23, s4  }
0x16: {  	[timem:s8], [sflag:s24] =	dma.local [hbm:s6], s22  }
0x17: {  	_ =	swait.ge [sflag:s24], s22  }
0x18: {  	s5 =	ssub.s32 $0x0, s22;
	[sflag:s24] =	ssyncset.done $0x0  }
0x19: {  	[sflag:s24] =	ssyncadd.s32 s5;
	_ =	sdelay $0x1  }
0x1a: {  	s25 =	simm.s32 $0x1B8B  }
0x1b: {  	_ =	swait.ge [sflag:s25], $0x1  }
0x1c: {  	[sflag:s25] =	ssyncset.done $0x0  }
0x1d: {  	s26 =	simm.s32 $0x1B8E;
	[sflag:s25] =	ssyncadd.s32 $0xFFFFFFFF  }
0x1e: {  	s27 =	simm.s32 $execute0_lowered;
	[smem:$0x3FD2] =	sst s26  }
0x1f: {  	s5 =	sshll.u32 s27, $0x1;
	_ =	strace $0x80000046;
	[dreg:$0x1] =	wrdreg $0xFFFFFFFF  }
0x20: {  	s28 =	simm.s32 $_size_execute0_lowered;
	s4 =	sadd.s32 s4, s5;
	[dreg:$0x0] =	wrdreg $0x0  }
0x21: {  	s5 =	sshll.u32 s28, $0x1;
	[dreg:$0x2] =	wrdreg s4  }
0x22: {  	[dreg:$0x3] =	wrdreg s5  }
0x23: {  	[dreg:$0x4] =	wrdreg $0xC0  }
0x24: {  	_ =	task [dreg:s8], $0x5FFFF  }
0x25: {  	[dreg:$0x1] =	wrdreg $0xFFFFFFFF  }
0x26: {  	[dreg:$0x0] =	wrdreg $0x60  }
0x27: {  	[dreg:$0x2] =	wrdreg s2  }
0x28: {  	[dreg:$0x3] =	wrdreg s20  }
0x29: {  	[dreg:$0x4] =	wrdreg $0x9  }
0x2a: {  	_ =	task.clear_ibuf [dreg:s8], $0x5FFFF;
	_ =	strace $0x90000046  }
0x2b: {  	s29 =	simm.s32 $0x9;
	_ =	strace $0x80000048  }
0x2c: {  	_ =	swait.ge [sflag:s29], $0x1  }
0x2d: {  	[sflag:s29] =	ssyncadd.s32 $0xFFFFFFFF  }
0x2e: {  	_ =	strace $0x90000048  }
0x2f: {  	_ =	sfence  }
0x30: {  	s30 =	sld [smem:$0x0];
	_ =	sdelay $0x2  }
0x31: {  	s31 =	sshll.u32 s1, $0xD;
	s1 =	sshrl.u32 s1, $0x2  }
0x32: {  	s3 =	sand.u32 $0x4000, s31;
	s1 =	sadd.s32 s1, s30  }
0x33: {  	s0 =	sor.u32 s3, s0;
	s1 =	sshll.u32 s1, $0x11  }
0x34: {  	s0 =	sor.u32 s1, s0  }
0x35: {  	s0 =	sadd.s32 $0x8F2B, s0  }
0x36: {  	[sflag:s0] =	ssyncadd.remote.s32 $0x1  }
0x37: {  	_ =	sfence.sel $0xFFFF  }
0x38: {  	[dreg:$0x0] =	wrdreg $0xFFFFFFFF;
	(pc) =	sbr.abs _section_cstart, $3  }
0x39: {  	[dreg:$0x1] =	wrdreg $0xFFFFFFFF  }
0x3a: {  	_ =	task.clear_ibuf [dreg:s8], $0x2FFFF;
	_ =	strace $0x9FFFFFFF  }
0x3b: {  	(tm) =	ssettm $0x7FFFFFFF  }
tec
execute0_lowered:
.L_overlay_start_1:
0x0: {  	(tag) =	ssettag $0x1  }
0x1: {  	s2 =	rddreg [dreg:$0x0]  }
0x2: {  	s3 =	rddreg [dreg:$0x1]  }
0x3: {  	s0 =	rddreg [dreg:$0x2]  }
0x4: {  	s1 =	srdreg.scid;
	_ =	strace $0x80000047;
	s7 =	simm.s32 $0x2  }
0x5: {  	s15 =	simm.s32 $0x0;
	p0 =	por $0x0, $0x0;
	s13 =	simm.s32 $0x0  }
0x6: {  	s16 =	simm.s32 $0x0;
	s14 =	simm.s32 $0x0;
	s9 =	simm.s32 $0x0  }
.Ltmp0:
0x7: {  	s10 =	simm.s32 $0x0;
	s4 =	sshll.u32 s1, $0x4;
	(pc) =	sbr.rel .LBB1_1-.Ltmp0, $4  }
0x8: {  	s1 =	stileid.u32;
	s5 =	sand.u32 $0x10, s4;
	s4 =	simm.s32 $0x1  }
0x9: {  	s8 =	simm.s32 $0x0;
	s6 =	sor.u32 s1, s5;
	[sflag:s4] =	ssyncpa.u1 $0x0  }
0xa: {  	s5 =	sand.u32 $0x3, s1;
	s6 =	sshrl.u32 s6, $0x2;
	[sflag:s7] =	ssyncpa.u1 $0x0  }
0xb: {  	s7 =	simm.s32 $0xC00;
	s12 =	smov.u32 s5;
	s11 =	smov.u32 s6  }
.LBB1_5:
0xc: {  	s17 =	sadd.s32 $0x80, s9  }
0xd: {  	s13 =	sadd.s32 $0x80, s10;
	s18 =	smov.u32 s10;
	p2 =	sgt.s32 s17, $0x17F  }
0xe: {  	s18 =	smov.u32 @p2 s13  }
0xf: {  	s19 =	smov.u32 s11;
	s13 =	sadd.s32 $0x8, s11;
	p3 =	sgt.s32 s18, $0x17F  }
0x10: {  	s19 =	smov.u32 @p3 s13  }
0x11: {  	s20 =	smov.u32 s12;
	s13 =	sadd.s32 $0x4, s12;
	p4 =	sgt.s32 s19, $0x7  }
0x12: {  	p1 =	slt.u32 s8, $0x2;
	s20 =	smov.u32 @p4 s13  }
0x13: {  	s8 =	sadd.s32 $0x1, s8;
	s17 =	simm.s32 @p2 $0x0;
	p2 =	sgt.s32 s20, $0xB  }
0x14: {  	s15 =	smov.u32 s9;
	s20 =	smov.u32 @p2 s5;
	p2 =	sne.s32 s8, $0x1D  }
.Ltmp1:
0x15: {  	s16 =	smov.u32 s11;
	s21 =	simm.s32 @!p1 $0x2;
	(pc) =	sbr.rel @!p2 .LBB1_6-.Ltmp1, $4  }
0x16: {  	s14 =	smov.u32 s12;
	p0 =	por !p0, !p0;
	_ =	swait.ge @!p1 [sflag:s21], $0x4000  }
0x17: {  	[sflag:s21] =	ssyncset.done @!p1 $0x0;
	s9 =	smov.u32 s17;
	s18 =	simm.s32 @p3 $0x0  }
0x18: {  	[sflag:s21] =	ssyncadd.s32 @!p1 $0xFFFFC000;
	s19 =	smov.u32 @p4 s6;
	s13 =	smov.u32 s10  }
0x19: {  	s10 =	smov.u32 s18;
	s11 =	smov.u32 s19;
	s12 =	smov.u32 s20  }
.LBB1_1:
0x1a: {  	p1 =	sgt.u32 s8, $0x1A  }
0x1b: {  	s17 =	sshrl.u32 @!p1 s10, $0x3  }
0x1c: {  	s18 =	sshll.u32 @!p1 s9, $0x3;
	s17 =	smul.u32 @!p1 $0xC00, s17  }
0x1d: {  	s19 =	sshll.u32 @!p1 s10, $0x7;
	s18 =	sand.u32 @!p1 $0xFFFFFC00, s18  }
0x1e: {  	s17 =	sadd.s32 @!p1 s17, s18;
	s18 =	sand.u32 @!p1 $0x380, s19  }
0x1f: {  	s19 =	sand.u32 @!p1 $0x7F, s9;
	s17 =	sor.u32 @!p1 s18, s17  }
0x20: {  	s18 =	sor.u32 @!p1 s19, s17;
	s17 =	smulhi.u32 @!p1 $0xAAAAAAAB, s17;
	_ =	sdelay $0x1  }
0x21: {  	s19 =	smulhi.u32 @!p1 $0xAAAAAAAB, s18;
	s17 =	sshrl.u32 @!p1 s17, $0x8  }
0x22: {  	s20 =	smulhi.u32 @!p1 $0xAAAAAB, s17  }
0x23: {  	s22 =	smul.u32 @!p1 $0x24000, s12  }
0x24: {  	s19 =	sshrl.u32 @!p1 s19, $0x8;
	s20 =	smul.u32 @!p1 $0x180, s20  }
0x25: {  	s21 =	sxor.u32 @!p1 $0xFFFFFFFF, s8;
	s19 =	smul.u32 @!p1 $0x180, s19  }
0x26: {  	s21 =	sshll.u32 @!p1 s21, $0xE;
	s17 =	ssub.s32 @!p1 s17, s20;
	s20 =	smul.u32 @!p1 $0x4800, s11  }
0x27: {  	s18 =	ssub.s32 @!p1 s18, s19;
	s19 =	sadd.s32 @!p1 s2, s22;
	s17 =	smul.u32 @!p1 $0x30, s17  }
0x28: {  	s21 =	sand.u32 @!p1 $0x4000, s21;
	s19 =	sadd.s32 @!p1 s20, s19;
	s20 =	sand.u32 @!p1 $0x7, s18  }
0x29: {  	s18 =	sshrl.u32 @!p1 s18, $0x3;
	s17 =	sadd.s32 @!p1 s17, s19;
	s19 =	sshll.u32 @!p1 s20, $0x12  }
0x2a: {  	s17 =	sadd.s32 @!p1 s18, s17;
	s18 =	sor.u32 @!p1 $0x400, s19;
	s19 =	simm.s32 @!p1 $0xC00  }
0x2b: {  	[tilespmem:s21], [sflag:$0x1] =	stream.strided.gather @!p1 [hbm4b:s17+s18], $0x4000, s19, s18, $0x38;
	[tilespmem:$0x10000] =	vst v63  }
0x2c: {  	p1 =	seq.s32 s8, $0x0  }
0x2d: {  	p2 =	seq.s32 @!p1 s8, $0x1C  }
0x2e: {  	p1 =	por p1, p2  }
.Ltmp2:
0x2f: {  	_ = 	snop;
	(pc) =	sbr.rel @p1 .LBB1_5-.Ltmp2, $1  }
0x30: {  	_ =	sdelay $0x3  }
0x31: {  	s17 =	simm.s32 $0x1  }
0x32: {  	s17 =	simm.s32 @!p0 $0x0  }
0x33: {  	s17 =	sshll.u32 s17, $0xE  }
0x34: {  	s18 =	sor.u32 $0x40, s17  }
0x35: {  	v1 =	vmov s18;
	_ =	sdelay $0x1  }
0x36: {  	_ =	swait.ge [sflag:s4], $0x4000  }
0x37: {  	[sflag:s4] =	ssyncset.done $0x0  }
0x38: {  	s19 =	simm.s32 $0x0;
	[sflag:s4] =	ssyncadd.s32 $0xFFFFC000  }
0x39: {  	s17 =	sor.u32 $0x8070, s17;
	v6 =	vld.idx.msk [tilespmem:v1+s19+$0x30 ss:$0x1], $0xffff  }
0x3a: {  	v0 =	vmov s17;
	v8 =	vld.idx.msk [tilespmem:v1+s19+$0xFFFFFFC0 ss:$0x1], $0xffff  }
0x3b: {  	v7 =	vld.idx.msk [tilespmem:v1+s19+$0xFFFFFFD0 ss:$0x1], $0xffff  }
0x3c: {  	v5 =	vld.idx.msk [tilespmem:v1+s19+$0xFFFFFFE0 ss:$0x1], $0xffff  }
0x3d: {  	v4 =	vld.idx.msk [tilespmem:v1+s19+$0xFFFFFFF0 ss:$0x1], $0xffff  }
0x3e: {  	s31 =	sshll.u32 s8, $0xE;
	v2 =	vld.idx.msk [tilespmem:v1+s19+$0x0 ss:$0x1], $0xffff  }
0x3f: {  	s17 =	sand.u32 $0x4000, s31;
	v3 =	vld.idx.msk [tilespmem:v1+s19+$0x10 ss:$0x1], $0xffff;
	[tilespmem:v0+s19+$0x0 ss:$0x1] =	vst.idx.msk $0xffff, v6  }
0x40: {  	s20 =	simm.s32 $0x400;
	s18 =	simm.s32 $0x80;
	s17 =	sor.u32 $0x8000, s17;
	[tilespmem:v0+s19+$0xFFFFFF90 ss:$0x1] =	vst.idx.msk $0xffff, v8;
	v6 =	vld.idx.msk [tilespmem:v1+s19+$0x20 ss:$0x1], $0xffff  }
.LBB1_3:
0x41: {  	p1 =	sne.s32 s20, $0xFE00;
	v8 =	vld.idx.msk [tilespmem:v1+s18+$0x30 ss:$0x1], $0xffff;
	[tilespmem:v0+s19+$0xFFFFFFA0 ss:$0x1] =	vst.idx.msk $0xffff, v7  }
0x42: {  	v9 =	vld.idx.msk [tilespmem:v1+s18+$0xFFFFFFC0 ss:$0x1], $0xffff;
	[tilespmem:v0+s19+$0xFFFFFFB0 ss:$0x1] =	vst.idx.msk $0xffff, v5  }
0x43: {  	v7 =	vld.idx.msk [tilespmem:v1+s18+$0xFFFFFFD0 ss:$0x1], $0xffff;
	[tilespmem:v0+s19+$0xFFFFFFC0 ss:$0x1] =	vst.idx.msk $0xffff, v4  }
.Ltmp3:
0x44: {  	v5 =	vld.idx.msk [tilespmem:v1+s18+$0xFFFFFFE0 ss:$0x1], $0xffff;
	[tilespmem:v0+s19+$0xFFFFFFD0 ss:$0x1] =	vst.idx.msk $0xffff, v2;
	(pc) =	sbr.rel @p1 .LBB1_3-.Ltmp3, $4  }
0x45: {  	v4 =	vld.idx.msk [tilespmem:v1+s18+$0xFFFFFFF0 ss:$0x1], $0xffff;
	[tilespmem:v0+s19+$0xFFFFFFE0 ss:$0x1] =	vst.idx.msk $0xffff, v3  }
0x46: {  	v2 =	vld.idx.msk [tilespmem:v1+s18+$0x0 ss:$0x1], $0xffff;
	[tilespmem:v0+s19+$0xFFFFFFF0 ss:$0x1] =	vst.idx.msk $0xffff, v6;
	s19 =	smov.u32 s18  }
0x47: {  	v3 =	vld.idx.msk [tilespmem:v1+s19+$0x10 ss:$0x1], $0xffff;
	[tilespmem:v0+s19+$0x0 ss:$0x1] =	vst.idx.msk $0xffff, v8  }
0x48: {  	s18 =	sshra.s32 s20, $0x2;
	s20 =	sadd.s32 $0x200, s20;
	[tilespmem:v0+s19+$0xFFFFFF90 ss:$0x1] =	vst.idx.msk $0xffff, v9;
	v6 =	vld.idx.msk [tilespmem:v1+s19+$0x20 ss:$0x1], $0xffff  }
0x49: {  	_ =	sdelay $0x2  }
0x4a: {  	s20 =	sshrl.u32 s16, $0x3  }
0x4b: {  	s21 =	sshll.u32 s15, $0x3;
	[tilespmem:v0+s19+$0xFFFFFFA0 ss:$0x1] =	vst.idx.msk $0xffff, v7;
	s20 =	smul.u32 $0xC00, s20  }
0x4c: {  	s27 =	sshll.u32 s16, $0x7;
	v56 =	vld.idx.msk [tilespmem:v1+s18+$0x30 ss:$0x1], $0xffff;
	[tilespmem:v0+s19+$0xFFFFFFB0 ss:$0x1] =	vst.idx.msk $0xffff, v5;
	s21 =	sand.u32 $0xFFFFFC00, s21  }
0x4d: {  	v57 =	vld.idx.msk [tilespmem:v1+s18+$0xFFFFFFC0 ss:$0x1], $0xffff;
	s16 =	sand.u32 $0x380, s27;
	[tilespmem:v0+s19+$0xFFFFFFC0 ss:$0x1] =	vst.idx.msk $0xffff, v4;
	s20 =	sadd.s32 s20, s21  }
0x4e: {  	s28 =	sand.u32 $0x7F, s15;
	v58 =	vld.idx.msk [tilespmem:v1+s18+$0xFFFFFFD0 ss:$0x1], $0xffff;
	[tilespmem:v0+s19+$0xFFFFFFD0 ss:$0x1] =	vst.idx.msk $0xffff, v2;
	s16 =	sor.u32 s16, s20  }
0x4f: {  	v59 =	vld.idx.msk [tilespmem:v1+s18+$0xFFFFFFE0 ss:$0x1], $0xffff;
	[tilespmem:v0+s19+$0xFFFFFFE0 ss:$0x1] =	vst.idx.msk $0xffff, v3;
	s15 =	sor.u32 s28, s16;
	s16 =	smulhi.u32 $0xAAAAAAAB, s16  }
0x50: {  	v60 =	vld.idx.msk [tilespmem:v1+s18+$0xFFFFFFF0 ss:$0x1], $0xffff;
	[tilespmem:v0+s19+$0xFFFFFFF0 ss:$0x1] =	vst.idx.msk $0xffff, v6;
	s29 =	smulhi.u32 $0xAAAAAAAB, s15  }
0x51: {  	v61 =	vld.idx.msk [tilespmem:v1+s18+$0x0 ss:$0x1], $0xffff;
	s14 =	smul.u32 $0x24000, s14;
	[tilespmem:v0+s18+$0x0 ss:$0x1] =	vst.idx.msk $0xffff, v56  }
0x52: {  	v62 =	vld.idx.msk [tilespmem:v1+s18+$0x10 ss:$0x1], $0xffff;
	s13 =	smul.u32 $0x180, s13;
	[tilespmem:v0+s18+$0xFFFFFF90 ss:$0x1] =	vst.idx.msk $0xffff, v57;
	s16 =	sshrl.u32 s16, $0x8;
	s30 =	sshrl.u32 s29, $0x8  }
0x53: {  	v63 =	vld.idx.msk [tilespmem:v1+s18+$0x20 ss:$0x1], $0xffff;
	[tilespmem:v0+s18+$0xFFFFFFA0 ss:$0x1] =	vst.idx.msk $0xffff, v58;
	s16 =	sand.u32 $0x7, s16;
	s19 =	smul.u32 $0x180, s30  }
0x54: {  	[tilespmem:v0+s18+$0xFFFFFFB0 ss:$0x1] =	vst.idx.msk $0xffff, v59;
	s16 =	smul.u32 $0x30, s16  }
.Ltmp4:
0x55: {  	s14 =	sadd.s32 s3, s14;
	[tilespmem:v0+s18+$0xFFFFFFC0 ss:$0x1] =	vst.idx.msk $0xffff, v60;
	s15 =	ssub.s32 s15, s19;
	(pc) =	sbr.rel .LBB1_5-.Ltmp4, $4  }
0x56: {  	s13 =	sadd.s32 s13, s14;
	[tilespmem:v0+s18+$0xFFFFFFD0 ss:$0x1] =	vst.idx.msk $0xffff, v61;
	s31 =	sand.u32 $0x7, s15  }
0x57: {  	[tilespmem:v0+s18+$0xFFFFFFE0 ss:$0x1] =	vst.idx.msk $0xffff, v62;
	s13 =	sadd.s32 s16, s13;
	s15 =	sshrl.u32 s15, $0x3;
	s14 =	sshll.u32 s31, $0x12  }
0x58: {  	[tilespmem:v0+s18+$0xFFFFFFF0 ss:$0x1] =	vst.idx.msk $0xffff, v63;
	s13 =	sadd.s32 s15, s13;
	s14 =	sor.u32 $0x80, s14  }
0x59: {  	[hbm4b:s13+s14] =	stream.strided.scatter [tilespmem:s17], [sflag:$0x2], $0x4000, s7, s14, $0x38;
	[tilespmem:$0x10000] =	vst v63  }
.LBB1_6:
0x5a: {  	_ =	sfence.sel $0x180000  }
0x5b: {  	s2 =	simm.s32 $0x1;
	[bflag:$0x0] =	sbarrier.arrive $0xFFFF  }
0x5c: {  	s31 =	simm.s32 $0x2;
	[sflag:s2] =	ssyncpa.u1 $0x1  }
0x5d: {  	[sflag:s31] =	ssyncpa.u1 $0x1  }
0x5e: {  	p0 =	sne.s32 s1, $0x0;
	_ =	strace $0x90000047  }
0x5f: {  	s0 =	sadd.s32 @!p0 $0x100000, s0;
	[bflag:$0x2] =	sbarrier.arrive $0xFFFF  }
0x60: {  	[sflag:s0] =	ssyncadd.tile.s32 @!p0 $0x1;
	_ =	shalt  }
.Lfunc_end1:
_tile_overlayer_lowered:
.L_overlay_start_2:
0x61: {  	(tag) =	ssettag $0x2  }
0x62: {  	s0 =	rddreg [dreg:$0x0];
	s2 =	stileid.u32  }
0x63: {  	s1 =	rddreg [dreg:$0x1];
	p0 =	sne.s32 s2, $0x0  }
0x64: {  	s3 =	rddreg [dreg:$0x2];
	[bflag:$0x3] =	sbarrier.arrive $0xFFFF;
	s2 =	simm.s32 @!p0 $0x1C01  }
0x65: {  	[timem:s3], [sflag:s2] =	dma.local @!p0 [hbm:s0], s1  }
0x66: {  	s0 =	simm.s32 @!p0 $0x1  }
0x67: {  	_ =	swait.ge @!p0 [sflag:s0], s1  }
0x68: {  	s1 =	ssub.s32 @!p0 $0x0, s1;
	[sflag:s0] =	ssyncset.done @!p0 $0x0  }
0x69: {  	[sflag:s0] =	ssyncadd.s32 @!p0 s1  }
0x6a: {  	[bflag:$0x3] =	sbarrier.arrive $0xFFFF  }
0x6b: {  	_ =	shalt  }

// kernel: sparse-core-data-format-call.cloned.1.call-start
scs
called_computation_lowered:
.L_overlay_start_0:
0x0: {  	s2 =	sld [smem:$0x3FD9]  }
0x1: {  	s3 =	sld [smem:$0x3FFE];
	_ =	sdelay $0x1  }
0x2: {  	s1 =	srdreg.scid  }
0x3: {  	s0 =	sand.u32 $0x1, s1  }
0x4: {  	s18 =	sshll.u32 s0, $0xA;
	s2 =	sadd.s32 s3, s2  }
0x5: {  	s2 =	sadd.s32 s2, s18  }
0x6: {  	[smem:$0x3FBF] =	sst s2  }
0x7: {  	_ = 	snop  }
0x8: {  	s2 =	sld [smem:$0x3FD0];
	(tm) =	ssettm $0x1  }
0x9: {  	s19 =	sld [smem:$0x3FFB];
	_ =	sdelay $0x3  }
0xa: {  	_ =	strace s19  }
0xb: {  	s3 =	sld [smem:$0x3FFC];
	_ =	sdelay $0x3  }
0xc: {  	_ =	strace s3  }
0xd: {  	s3 =	sld [smem:$0x3FFD];
	_ =	sdelay $0x3  }
0xe: {  	_ =	strace s3  }
0xf: {  	_ =	strace $0x8FFFFFFF  }
0x10: {  	s20 =	sld [smem:$0x3FDB];
	_ =	sdelay $0x1  }
0x11: {  	s4 =	simm.s32 $_scs_section_size  }
0x12: {  	s5 =	simm.s32 $_size__tile_overlayer_lowered;
	s6 =	simm.s32 $_tile_overlayer_lowered  }
0x13: {  	s23 =	simm.s32 $0x1BFF;
	s22 =	sshll.u32 s6, $0x1;
	s3 =	sadd.s32 s4, s20  }
0x14: {  	s7 =	simm.s32 $0x0;
	s21 =	sshll.u32 s5, $0x1;
	s5 =	sadd.s32 s22, s3  }
0x15: {  	[timem:s7], [sflag:s23] =	dma.local [hbm:s5], s21  }
0x16: {  	_ =	swait.ge [sflag:s23], s21  }
0x17: {  	s4 =	ssub.s32 $0x0, s21;
	[sflag:s23] =	ssyncset.done $0x0  }
0x18: {  	[sflag:s23] =	ssyncadd.s32 s4;
	_ =	sdelay $0x1  }
0x19: {  	s24 =	simm.s32 $0x1B8B  }
0x1a: {  	_ =	swait.ge [sflag:s24], $0x1  }
0x1b: {  	[sflag:s24] =	ssyncset.done $0x0  }
0x1c: {  	s26 =	simm.s32 $0x1B8E;
	s25 =	sld [smem:$0x3FFE];
	[sflag:s24] =	ssyncadd.s32 $0xFFFFFFFF  }
0x1d: {  	s27 =	simm.s32 $execute0_lowered;
	[smem:$0x3FD2] =	sst s26  }
0x1e: {  	s5 =	sshll.u32 s27, $0x1;
	_ =	strace $0x80000049;
	[dreg:$0x1] =	wrdreg $0xFFFFFFFF  }
0x1f: {  	s28 =	simm.s32 $_size_execute0_lowered;
	s3 =	sadd.s32 s3, s5;
	[dreg:$0x0] =	wrdreg $0x0  }
0x20: {  	s5 =	sshll.u32 s28, $0x1;
	[dreg:$0x2] =	wrdreg s3  }
0x21: {  	[dreg:$0x3] =	wrdreg s5  }
0x22: {  	[dreg:$0x4] =	wrdreg $0xC0  }
0x23: {  	_ =	task [dreg:s7], $0x5FFFF  }
0x24: {  	[dreg:$0x1] =	wrdreg $0xFFFFFFFF  }
0x25: {  	[dreg:$0x0] =	wrdreg $0x60  }
0x26: {  	[dreg:$0x2] =	wrdreg s25  }
0x27: {  	[dreg:$0x3] =	wrdreg s2  }
0x28: {  	[dreg:$0x4] =	wrdreg $0x9  }
0x29: {  	_ =	task.clear_ibuf [dreg:s7], $0x5FFFF;
	_ =	strace $0x90000049  }
0x2a: {  	s29 =	simm.s32 $0x9;
	_ =	strace $0x8000004B  }
0x2b: {  	_ =	swait.ge [sflag:s29], $0x1  }
0x2c: {  	[sflag:s29] =	ssyncadd.s32 $0xFFFFFFFF  }
0x2d: {  	_ =	strace $0x9000004B  }
0x2e: {  	_ =	sfence  }
0x2f: {  	s30 =	sld [smem:$0x0];
	_ =	sdelay $0x2  }
0x30: {  	s31 =	sshll.u32 s1, $0xD;
	s1 =	sshrl.u32 s1, $0x2  }
0x31: {  	s3 =	sand.u32 $0x4000, s31;
	s1 =	sadd.s32 s1, s30  }
0x32: {  	s0 =	sor.u32 s3, s0;
	s1 =	sshll.u32 s1, $0x11  }
0x33: {  	s0 =	sor.u32 s1, s0  }
0x34: {  	s0 =	sadd.s32 $0x8F2B, s0  }
0x35: {  	[sflag:s0] =	ssyncadd.remote.s32 $0x1  }
0x36: {  	_ =	sfence.sel $0xFFFF  }
0x37: {  	[dreg:$0x0] =	wrdreg $0xFFFFFFFF;
	(pc) =	sbr.abs _section_cstart, $3  }
0x38: {  	[dreg:$0x1] =	wrdreg $0xFFFFFFFF  }
0x39: {  	_ =	task.clear_ibuf [dreg:s7], $0x2FFFF;
	_ =	strace $0x9FFFFFFF  }
0x3a: {  	(tm) =	ssettm $0x7FFFFFFF  }
0x3b: {  	_ =	shalt  }
tec
execute0_lowered:
.L_overlay_start_1:
0x0: {  	(tag) =	ssettag $0x1  }
0x1: {  	s1 =	rddreg [dreg:$0x0]  }
0x2: {  	s2 =	rddreg [dreg:$0x1]  }
0x3: {  	s0 =	rddreg [dreg:$0x2];
	s4 =	srdreg.scid  }
0x4: {  	_ =	strace $0x8000004A;
	s7 =	simm.s32 $0x2;
	s15 =	simm.s32 $0x0  }
0x5: {  	p0 =	por $0x0, $0x0;
	s13 =	simm.s32 $0x0;
	s16 =	simm.s32 $0x0  }
0x6: {  	s14 =	simm.s32 $0x0;
	s9 =	simm.s32 $0x0;
	s11 =	simm.s32 $0x0  }
.Ltmp0:
0x7: {  	s3 =	sadd.s32 $0x800, s1;
	s4 =	sshll.u32 s4, $0x4;
	(pc) =	sbr.rel .LBB1_1-.Ltmp0, $4  }
0x8: {  	s1 =	stileid.u32;
	s5 =	sand.u32 $0x10, s4;
	s4 =	simm.s32 $0x1  }
0x9: {  	s8 =	simm.s32 $0x0;
	s6 =	sor.u32 s1, s5;
	[sflag:s4] =	ssyncpa.u1 $0x0  }
0xa: {  	s5 =	sand.u32 $0x3, s1;
	s6 =	sshrl.u32 s6, $0x2;
	[sflag:s7] =	ssyncpa.u1 $0x0  }
0xb: {  	s7 =	simm.s32 $0xC00;
	s12 =	smov.u32 s5;
	s10 =	smov.u32 s6  }
.LBB1_5:
0xc: {  	s17 =	sadd.s32 $0x80, s9  }
0xd: {  	s13 =	sadd.s32 $0x8, s10;
	s18 =	smov.u32 s10;
	p2 =	sgt.s32 s17, $0x17F  }
0xe: {  	s18 =	smov.u32 @p2 s13  }
0xf: {  	s19 =	smov.u32 s11;
	s13 =	sadd.s32 $0x80, s11;
	p3 =	sgt.s32 s18, $0x7  }
0x10: {  	s19 =	smov.u32 @p3 s13  }
0x11: {  	s20 =	smov.u32 s12;
	s13 =	sadd.s32 $0x4, s12;
	p4 =	sgt.s32 s19, $0x17F  }
0x12: {  	p1 =	slt.u32 s8, $0x2;
	s20 =	smov.u32 @p4 s13  }
0x13: {  	s8 =	sadd.s32 $0x1, s8;
	s17 =	simm.s32 @p2 $0x0;
	p2 =	sgt.s32 s20, $0xB  }
0x14: {  	s15 =	smov.u32 s9;
	s20 =	smov.u32 @p2 s5;
	p2 =	sne.s32 s8, $0x1D  }
.Ltmp1:
0x15: {  	s16 =	smov.u32 s11;
	s21 =	simm.s32 @!p1 $0x2;
	(pc) =	sbr.rel @!p2 .LBB1_6-.Ltmp1, $4  }
0x16: {  	s14 =	smov.u32 s12;
	p0 =	por !p0, !p0;
	_ =	swait.ge @!p1 [sflag:s21], $0x4000  }
0x17: {  	[sflag:s21] =	ssyncset.done @!p1 $0x0;
	s9 =	smov.u32 s17;
	s18 =	smov.u32 @p3 s6  }
0x18: {  	[sflag:s21] =	ssyncadd.s32 @!p1 $0xFFFFC000;
	s19 =	simm.s32 @p4 $0x0;
	s13 =	smov.u32 s10  }
0x19: {  	s10 =	smov.u32 s18;
	s11 =	smov.u32 s19;
	s12 =	smov.u32 s20  }
.LBB1_1:
0x1a: {  	p1 =	sgt.u32 s8, $0x1A  }
0x1b: {  	s17 =	sshrl.u32 @!p1 s10, $0x3  }
0x1c: {  	s18 =	sshll.u32 @!p1 s9, $0x3;
	s17 =	smul.u32 @!p1 $0xC00, s17  }
0x1d: {  	s19 =	sshll.u32 @!p1 s10, $0x7;
	s18 =	sand.u32 @!p1 $0xFFFFFC00, s18  }
0x1e: {  	s17 =	sadd.s32 @!p1 s17, s18;
	s18 =	sand.u32 @!p1 $0x380, s19  }
0x1f: {  	s19 =	sand.u32 @!p1 $0x7F, s9;
	s17 =	sor.u32 @!p1 s18, s17  }
0x20: {  	s18 =	sor.u32 @!p1 s19, s17  }
0x21: {  	s19 =	smulhi.u32 @!p1 $0xAAAAAAAB, s18  }
0x22: {  	s17 =	smulhi.u32 @!p1 $0xAAAAAAAB, s17  }
0x23: {  	s21 =	smul.u32 @!p1 $0x24000, s12;
	s19 =	sshrl.u32 @!p1 s19, $0x8  }
0x24: {  	s20 =	sxor.u32 @!p1 $0xFFFFFFFF, s8;
	s17 =	sshrl.u32 @!p1 s17, $0x8;
	s19 =	smul.u32 @!p1 $0x180, s19  }
0x25: {  	s22 =	smul.u32 @!p1 $0x180, s11;
	s20 =	sshll.u32 @!p1 s20, $0xE;
	s17 =	sand.u32 @!p1 $0x7, s17  }
0x26: {  	s17 =	smul.u32 @!p1 $0x30, s17;
	s18 =	ssub.s32 @!p1 s18, s19;
	s19 =	sadd.s32 @!p1 s3, s21  }
0x27: {  	s20 =	sand.u32 @!p1 $0x4000, s20;
	s19 =	sadd.s32 @!p1 s22, s19;
	s21 =	sand.u32 @!p1 $0x7, s18  }
0x28: {  	s18 =	sshrl.u32 @!p1 s18, $0x3;
	s17 =	sadd.s32 @!p1 s17, s19;
	s19 =	sshll.u32 @!p1 s21, $0x12  }
0x29: {  	s17 =	sadd.s32 @!p1 s18, s17;
	s18 =	sor.u32 @!p1 $0x80, s19;
	s19 =	simm.s32 @!p1 $0xC00  }
0x2a: {  	[tilespmem:s20], [sflag:$0x1] =	stream.strided.gather @!p1 [hbm4b:s17+s18], $0x4000, s19, s18, $0x38;
	[tilespmem:$0x10000] =	vst v63  }
0x2b: {  	p1 =	seq.s32 s8, $0x0  }
0x2c: {  	p2 =	seq.s32 @!p1 s8, $0x1C  }
0x2d: {  	p1 =	por p1, p2  }
.Ltmp2:
0x2e: {  	_ = 	snop;
	(pc) =	sbr.rel @p1 .LBB1_5-.Ltmp2, $1  }
0x2f: {  	_ =	sdelay $0x3  }
0x30: {  	s17 =	simm.s32 $0x1  }
0x31: {  	s17 =	simm.s32 @!p0 $0x0  }
0x32: {  	s17 =	sshll.u32 s17, $0xE  }
0x33: {  	s18 =	sor.u32 $0x70, s17  }
0x34: {  	v1 =	vmov s18;
	_ =	sdelay $0x1  }
0x35: {  	_ =	swait.ge [sflag:s4], $0x4000  }
0x36: {  	[sflag:s4] =	ssyncset.done $0x0  }
0x37: {  	s19 =	simm.s32 $0x0;
	[sflag:s4] =	ssyncadd.s32 $0xFFFFC000  }
0x38: {  	s17 =	sor.u32 $0x8040, s17;
	v6 =	vld.idx.msk [tilespmem:v1+s19+$0x0 ss:$0x1], $0xffff  }
0x39: {  	v0 =	vmov s17;
	v8 =	vld.idx.msk [tilespmem:v1+s19+$0xFFFFFF90 ss:$0x1], $0xffff  }
0x3a: {  	v7 =	vld.idx.msk [tilespmem:v1+s19+$0xFFFFFFA0 ss:$0x1], $0xffff  }
0x3b: {  	v5 =	vld.idx.msk [tilespmem:v1+s19+$0xFFFFFFB0 ss:$0x1], $0xffff  }
0x3c: {  	v4 =	vld.idx.msk [tilespmem:v1+s19+$0xFFFFFFC0 ss:$0x1], $0xffff  }
0x3d: {  	s31 =	sshll.u32 s8, $0xE;
	v2 =	vld.idx.msk [tilespmem:v1+s19+$0xFFFFFFD0 ss:$0x1], $0xffff  }
0x3e: {  	s17 =	sand.u32 $0x4000, s31;
	v3 =	vld.idx.msk [tilespmem:v1+s19+$0xFFFFFFE0 ss:$0x1], $0xffff;
	[tilespmem:v0+s19+$0x30 ss:$0x1] =	vst.idx.msk $0xffff, v6  }
0x3f: {  	s20 =	simm.s32 $0x400;
	s18 =	simm.s32 $0x80;
	s17 =	sor.u32 $0x8000, s17;
	[tilespmem:v0+s19+$0xFFFFFFC0 ss:$0x1] =	vst.idx.msk $0xffff, v8;
	v6 =	vld.idx.msk [tilespmem:v1+s19+$0xFFFFFFF0 ss:$0x1], $0xffff  }
.LBB1_3:
0x40: {  	p1 =	sne.s32 s20, $0xFE00;
	v8 =	vld.idx.msk [tilespmem:v1+s18+$0x0 ss:$0x1], $0xffff;
	[tilespmem:v0+s19+$0xFFFFFFD0 ss:$0x1] =	vst.idx.msk $0xffff, v7  }
0x41: {  	v9 =	vld.idx.msk [tilespmem:v1+s18+$0xFFFFFF90 ss:$0x1], $0xffff;
	[tilespmem:v0+s19+$0xFFFFFFE0 ss:$0x1] =	vst.idx.msk $0xffff, v5  }
0x42: {  	v7 =	vld.idx.msk [tilespmem:v1+s18+$0xFFFFFFA0 ss:$0x1], $0xffff;
	[tilespmem:v0+s19+$0xFFFFFFF0 ss:$0x1] =	vst.idx.msk $0xffff, v4  }
.Ltmp3:
0x43: {  	v5 =	vld.idx.msk [tilespmem:v1+s18+$0xFFFFFFB0 ss:$0x1], $0xffff;
	[tilespmem:v0+s19+$0x0 ss:$0x1] =	vst.idx.msk $0xffff, v2;
	(pc) =	sbr.rel @p1 .LBB1_3-.Ltmp3, $4  }
0x44: {  	v4 =	vld.idx.msk [tilespmem:v1+s18+$0xFFFFFFC0 ss:$0x1], $0xffff;
	[tilespmem:v0+s19+$0x10 ss:$0x1] =	vst.idx.msk $0xffff, v3  }
0x45: {  	v2 =	vld.idx.msk [tilespmem:v1+s18+$0xFFFFFFD0 ss:$0x1], $0xffff;
	[tilespmem:v0+s19+$0x20 ss:$0x1] =	vst.idx.msk $0xffff, v6;
	s19 =	smov.u32 s18  }
0x46: {  	v3 =	vld.idx.msk [tilespmem:v1+s19+$0xFFFFFFE0 ss:$0x1], $0xffff;
	[tilespmem:v0+s19+$0x30 ss:$0x1] =	vst.idx.msk $0xffff, v8  }
0x47: {  	s18 =	sshra.s32 s20, $0x2;
	s20 =	sadd.s32 $0x200, s20;
	[tilespmem:v0+s19+$0xFFFFFFC0 ss:$0x1] =	vst.idx.msk $0xffff, v9;
	v6 =	vld.idx.msk [tilespmem:v1+s19+$0xFFFFFFF0 ss:$0x1], $0xffff  }
0x48: {  	s20 =	sshrl.u32 s16, $0x3  }
0x49: {  	s21 =	sshll.u32 s15, $0x3;
	s20 =	smul.u32 $0xC00, s20  }
0x4a: {  	s26 =	sshll.u32 s16, $0x7;
	s21 =	sand.u32 $0xFFFFFC00, s21  }
0x4b: {  	s16 =	sand.u32 $0x380, s26;
	s20 =	sadd.s32 s20, s21  }
0x4c: {  	[tilespmem:v0+s19+$0xFFFFFFD0 ss:$0x1] =	vst.idx.msk $0xffff, v7;
	s27 =	sand.u32 $0x7F, s15;
	s16 =	sor.u32 s16, s20  }
0x4d: {  	v56 =	vld.idx.msk [tilespmem:v1+s18+$0x0 ss:$0x1], $0xffff;
	[tilespmem:v0+s19+$0xFFFFFFE0 ss:$0x1] =	vst.idx.msk $0xffff, v5;
	s15 =	sor.u32 s27, s16;
	s16 =	smulhi.u32 $0xAAAAAAAB, s16  }
0x4e: {  	v57 =	vld.idx.msk [tilespmem:v1+s18+$0xFFFFFF90 ss:$0x1], $0xffff;
	[tilespmem:v0+s19+$0xFFFFFFF0 ss:$0x1] =	vst.idx.msk $0xffff, v4  }
0x4f: {  	v58 =	vld.idx.msk [tilespmem:v1+s18+$0xFFFFFFA0 ss:$0x1], $0xffff;
	s14 =	smul.u32 $0x24000, s14;
	[tilespmem:v0+s19+$0x0 ss:$0x1] =	vst.idx.msk $0xffff, v2;
	s16 =	sshrl.u32 s16, $0x8  }
0x50: {  	v59 =	vld.idx.msk [tilespmem:v1+s18+$0xFFFFFFB0 ss:$0x1], $0xffff;
	[tilespmem:v0+s19+$0x10 ss:$0x1] =	vst.idx.msk $0xffff, v3;
	s30 =	smulhi.u32 $0xAAAAAB, s16  }
0x51: {  	v60 =	vld.idx.msk [tilespmem:v1+s18+$0xFFFFFFC0 ss:$0x1], $0xffff;
	[tilespmem:v0+s19+$0x20 ss:$0x1] =	vst.idx.msk $0xffff, v6;
	s28 =	smulhi.u32 $0xAAAAAAAB, s15  }
0x52: {  	v61 =	vld.idx.msk [tilespmem:v1+s18+$0xFFFFFFD0 ss:$0x1], $0xffff;
	[tilespmem:v0+s18+$0x30 ss:$0x1] =	vst.idx.msk $0xffff, v56;
	s20 =	smul.u32 $0x180, s30  }
0x53: {  	v62 =	vld.idx.msk [tilespmem:v1+s18+$0xFFFFFFE0 ss:$0x1], $0xffff;
	s13 =	smul.u32 $0x4800, s13;
	[tilespmem:v0+s18+$0xFFFFFFC0 ss:$0x1] =	vst.idx.msk $0xffff, v57;
	s29 =	sshrl.u32 s28, $0x8  }
0x54: {  	v63 =	vld.idx.msk [tilespmem:v1+s18+$0xFFFFFFF0 ss:$0x1], $0xffff;
	[tilespmem:v0+s18+$0xFFFFFFD0 ss:$0x1] =	vst.idx.msk $0xffff, v58;
	s19 =	smul.u32 $0x180, s29;
	s16 =	ssub.s32 s16, s20  }
0x55: {  	[tilespmem:v0+s18+$0xFFFFFFE0 ss:$0x1] =	vst.idx.msk $0xffff, v59;
	s16 =	smul.u32 $0x30, s16  }
.Ltmp4:
0x56: {  	s14 =	sadd.s32 s2, s14;
	[tilespmem:v0+s18+$0xFFFFFFF0 ss:$0x1] =	vst.idx.msk $0xffff, v60;
	s15 =	ssub.s32 s15, s19;
	(pc) =	sbr.rel .LBB1_5-.Ltmp4, $4  }
0x57: {  	s13 =	sadd.s32 s13, s14;
	[tilespmem:v0+s18+$0x0 ss:$0x1] =	vst.idx.msk $0xffff, v61;
	s31 =	sand.u32 $0x7, s15  }
0x58: {  	[tilespmem:v0+s18+$0x10 ss:$0x1] =	vst.idx.msk $0xffff, v62;
	s15 =	sshrl.u32 s15, $0x3;
	s14 =	sshll.u32 s31, $0x12;
	s13 =	sadd.s32 s16, s13  }
0x59: {  	[tilespmem:v0+s18+$0x20 ss:$0x1] =	vst.idx.msk $0xffff, v63;
	s14 =	sor.u32 $0x400, s14;
	s13 =	sadd.s32 s15, s13  }
0x5a: {  	[hbm4b:s13+s14] =	stream.strided.scatter [tilespmem:s17], [sflag:$0x2], $0x4000, s7, s14, $0x38;
	[tilespmem:$0x10000] =	vst v63  }
.LBB1_6:
0x5b: {  	_ =	sfence.sel $0x180000  }
0x5c: {  	s2 =	simm.s32 $0x1;
	[bflag:$0x0] =	sbarrier.arrive $0xFFFF  }
0x5d: {  	s31 =	simm.s32 $0x2;
	[sflag:s2] =	ssyncpa.u1 $0x1  }
0x5e: {  	[sflag:s31] =	ssyncpa.u1 $0x1  }
0x5f: {  	p0 =	sne.s32 s1, $0x0;
	_ =	strace $0x9000004A  }
0x60: {  	s0 =	sadd.s32 @!p0 $0x100000, s0;
	[bflag:$0x2] =	sbarrier.arrive $0xFFFF  }
0x61: {  	[sflag:s0] =	ssyncadd.tile.s32 @!p0 $0x1;
	_ =	shalt  }
.Lfunc_end1:
_tile_overlayer_lowered:
.L_overlay_start_2:
0x62: {  	(tag) =	ssettag $0x2  }
0x63: {  	s0 =	rddreg [dreg:$0x0];
	s2 =	stileid.u32  }
0x64: {  	s1 =	rddreg [dreg:$0x1];
	p0 =	sne.s32 s2, $0x0  }
0x65: {  	s3 =	rddreg [dreg:$0x2];
	[bflag:$0x3] =	sbarrier.arrive $0xFFFF;
	s2 =	simm.s32 @!p0 $0x1C01  }
0x66: {  	[timem:s3], [sflag:s2] =	dma.local @!p0 [hbm:s0], s1  }
0x67: {  	s0 =	simm.s32 @!p0 $0x1  }
0x68: {  	_ =	swait.ge @!p0 [sflag:s0], s1  }
0x69: {  	s1 =	ssub.s32 @!p0 $0x0, s1;
	[sflag:s0] =	ssyncset.done @!p0 $0x0  }
0x6a: {  	[sflag:s0] =	ssyncadd.s32 @!p0 s1  }
0x6b: {  	[bflag:$0x3] =	sbarrier.arrive $0xFFFF  }
0x6c: {  	_ =	shalt  }

</sc_bundles>
